<compile_context>
chip_gen: v7x
topology: tpu7x:2x2x1
jax: 0.10.2.dev20260603
libtpu: 0.0.44.dev20260713+nightly
codegen_flags: <defaults>
</compile_context>

<pallas_src>
import functools

import jax
import jax.numpy as jnp
from jax import lax
from jax.experimental import pallas as pl
from jax.experimental.pallas import tpu as pltpu
from jax.experimental.pallas import tpu_sc as plsc

NEXP = 16
NTOK = 16384
DIN = 23
DPAD = 128
H = 512
BLK = 1024
P_CAP = NTOK + NEXP * BLK
NB = P_CAP // BLK
R = 128
C = 128
NW = 32
TPW = NTOK // NW
CH = TPW // 128


def _routing_body(mb_ref, tb_ref, xt_ref, dest_ref, be_ref, xp_ref):
    proj = (lax.broadcasted_iota(jnp.int32, (DIN, DPAD), 0)
            == lax.broadcasted_iota(jnp.int32, (DIN, DPAD), 1)).astype(jnp.float32)
    xp_ref[...] = jax.lax.dot_general(
        xt_ref[...], proj, (((0,), (0,)), ((), ())),
        preferred_element_type=jnp.float32)

    flat = mb_ref[...] * 4 + tb_ref[...]
    ri = lax.broadcasted_iota(jnp.int32, (R, C), 0)
    ci = lax.broadcasted_iota(jnp.int32, (R, C), 1)
    upper = (ri <= ci).astype(jnp.float32)
    lower = (ci < ri).astype(jnp.float32)
    ones = jnp.ones((R, C), jnp.float32)

    rank = jnp.zeros((R, C), jnp.float32)
    counts = []
    for e in range(NEXP):
        m = (flat == e).astype(jnp.float32)
        incl = jnp.dot(m, upper, preferred_element_type=jnp.float32)
        col_pre = jnp.dot(lower, m, preferred_element_type=jnp.float32)
        row_pre = jnp.dot(col_pre, ones, preferred_element_type=jnp.float32)
        rank = rank + m * (incl - m + row_pre)
        counts.append(jnp.sum(m).astype(jnp.int32))

    offs = []
    cumnb = []
    acc = jnp.int32(0)
    for e in range(NEXP):
        nbe = (counts[e] + (BLK - 1)) // BLK
        offs.append(acc * BLK)
        acc = acc + nbe
        cumnb.append(acc)

    offvec = jnp.zeros((R, C), jnp.float32)
    for e in range(NEXP):
        m = (flat == e).astype(jnp.float32)
        offvec = offvec + m * offs[e].astype(jnp.float32)
    dest_ref[...] = (rank + offvec).astype(jnp.int32)

    ri8 = lax.broadcasted_iota(jnp.int32, (8, 128), 0)
    kk = lax.broadcasted_iota(jnp.int32, (8, 128), 1)
    used = cumnb[NEXP - 1]
    be = jnp.zeros((8, 128), jnp.int32)
    lastexp = jnp.int32(0)
    for e in range(NEXP):
        be = be + (kk >= cumnb[e]).astype(jnp.int32)
        lastexp = lastexp + (cumnb[e] < used).astype(jnp.int32)
    wexp = jnp.minimum(jnp.minimum(be, NEXP - 1), lastexp)
    xblk = jnp.minimum(kk, used - 1)
    be_ref[...] = jnp.where(ri8 == 0, wexp, jnp.where(ri8 == 1, xblk, 0))


def _routing_call(mb, tb, xt, interpret=False):
    return pl.pallas_call(
        _routing_body,
        out_shape=(jax.ShapeDtypeStruct((R, C), jnp.int32),
                   jax.ShapeDtypeStruct((8, 128), jnp.int32),
                   jax.ShapeDtypeStruct((NTOK, DPAD), jnp.float32)),
        interpret=interpret,
    )(mb, tb, xt)


def _mlp_body(wexp_ref, xblk_ref, x_ref, w1_ref, w2_ref, p_ref, o_ref):
    i = pl.program_id(0)

    @pl.when(i == xblk_ref[i])
    def _():
        x = x_ref[...]
        p = p_ref[0, 0]
        h = jnp.dot(x[:, :DIN].astype(jnp.bfloat16),
                    w1_ref[0].astype(jnp.bfloat16),
                    preferred_element_type=jnp.float32)
        h = jnp.maximum(h + p[:H][None, :], 0.0)
        h2 = jnp.dot(h.astype(jnp.bfloat16), w2_ref[...].astype(jnp.bfloat16),
                     preferred_element_type=jnp.float32)
        h2 = jnp.maximum(h2 + p[H:2 * H][None, :], 0.0)
        y = jax.lax.dot_general(p[2 * H:3 * H][None, :], h2,
                                (((1,), (1,)), ((), ())),
                                preferred_element_type=jnp.float32)
        o_ref[...] = (y + p[3 * H]).reshape(1, 1, BLK)


def _mlp_call(wexp, xblk, xpad, w1, w2, pk, interpret=False):
    grid_spec = pltpu.PrefetchScalarGridSpec(
        num_scalar_prefetch=2,
        grid=(NB,),
        in_specs=[
            pl.BlockSpec((BLK, DPAD), lambda i, we, xb: (xb[i], 0)),
            pl.BlockSpec((1, DIN, H), lambda i, we, xb: (we[i], 0, 0)),
            pl.BlockSpec((H, H), lambda i, we, xb: (we[i], 0)),
            pl.BlockSpec((1, 1, 3 * H + 128), lambda i, we, xb: (we[i], 0, 0)),
        ],
        out_specs=pl.BlockSpec((1, 1, BLK), lambda i, we, xb: (xb[i], 0, 0)),
    )
    return pl.pallas_call(
        _mlp_body,
        grid_spec=grid_spec,
        out_shape=jax.ShapeDtypeStruct((NB, 1, BLK), jnp.float32),
        interpret=interpret,
    )(wexp, xblk, xpad, w1, w2, pk)


@functools.lru_cache(maxsize=1)
def _sc_kernels():
    mesh = plsc.VectorSubcoreMesh(core_axis_name="c", subcore_axis_name="s")

    @functools.partial(
        pl.kernel,
        mesh=mesh,
        out_type=jax.ShapeDtypeStruct((P_CAP, DPAD), jnp.float32),
        scratch_types=[
            pltpu.VMEM((CH, 128), jnp.int32),
            pltpu.VMEM((TPW, DPAD), jnp.float32),
            pltpu.SemaphoreType.DMA,
        ],
    )
    def _sc_scatter(dest_hbm, x_hbm, xpad_hbm, idx_v, rows_v, sem):
        wid = lax.axis_index("s") * 2 + lax.axis_index("c")
        pltpu.sync_copy(dest_hbm.at[wid], idx_v)
        pltpu.sync_copy(x_hbm.at[pl.ds(wid * TPW, TPW)], rows_v)
        cps = [pltpu.async_copy(rows_v.at[pl.ds(j * 128, 128)],
                                xpad_hbm.at[idx_v.at[j]], sem)
               for j in range(CH)]
        for c in cps:
            c.wait()

    @functools.partial(
        pl.kernel,
        mesh=mesh,
        out_type=jax.ShapeDtypeStruct((NTOK,), jnp.float32),
        scratch_types=[
            pltpu.VMEM((TPW + 16,), jnp.int32),
            pltpu.VMEM((NB * BLK + 16,), jnp.float32),
            pltpu.VMEM((TPW,), jnp.float32),
            pltpu.SemaphoreType.DMA,
        ],
    )
    def _sc_gather(dest2_hbm, ycomp_hbm, out_hbm, idx_v, y_v, col_v, sem):
        wid = lax.axis_index("s") * 2 + lax.axis_index("c")
        pltpu.sync_copy(dest2_hbm.at[wid], idx_v.at[pl.ds(0, TPW)])
        pltpu.sync_copy(ycomp_hbm, y_v.at[pl.ds(0, NB * BLK)])
        lane = lax.iota(jnp.int32, 16)

        def _extract(i, carry):
            base = i * 16
            vi = idx_v[pl.ds(base, 16)]
            acc = jnp.zeros((16,), jnp.float32)
            for j in range(16):
                vy = y_v[pl.ds(vi[j], 16)]
                acc = jnp.where(lane == j, vy[0], acc)
            col_v[pl.ds(base, 16)] = acc
            return carry

        lax.fori_loop(0, TPW // 16, _extract, 0)
        pltpu.sync_copy(col_v, out_hbm.at[pl.ds(wid * TPW, TPW)])

    return _sc_scatter, _sc_gather


def kernel(x, moneyness_bins, maturity_bins, W1, b1, W2, b2, W3, b3):
    mb = moneyness_bins.astype(jnp.int32).reshape(R, C)
    tb = maturity_bins.astype(jnp.int32).reshape(R, C)
    dest, meta, xp = _routing_call(mb, tb, x.T)
    wexp = meta[0, :NB]
    xblk = meta[1, :NB]
    dest3 = dest.reshape(NW, CH, 128)

    sc_scatter, sc_gather = _sc_kernels()
    xpad = sc_scatter(dest3, xp)

    pk = jnp.concatenate(
        [b1, b2, W3.reshape(NEXP, H),
         jnp.broadcast_to(b3, (NEXP, 128))], axis=1).reshape(NEXP, 1, 3 * H + 128)
    ypad = _mlp_call(wexp, xblk, xpad, W1, W2.reshape(NEXP * H, H), pk)

    outr = sc_gather(dest.reshape(NW, TPW), ypad.reshape(NB * BLK))
    return outr.reshape(NTOK, 1)

# --- scband reference (transcript-rebuilt; emitter-appended) ---
"""Pipeline reference for scband-expert-pool-30502857736700 (READ-ONLY COPY).

The authoritative reference and input builder live on the scoring server;
editing this copy changes nothing except your own understanding.
"""

import jax, jax.numpy as jnp
import numpy as np

M_BINS = 4
N_BINS = 4
N_EXPERTS = M_BINS * N_BINS
BATCH = 16384
INPUT_DIM = 23
H1 = 512
H2 = 512
OUT_DIM = 1


def setup_inputs(seed: int = 0) -> dict:
    key = jax.random.key(seed)
    ks = jax.random.split(key, 10)
    x = jax.random.normal(ks[0], (BATCH, INPUT_DIM), dtype=jnp.float32)
    moneyness_bins = jax.random.randint(ks[1], (BATCH,), 0, M_BINS)
    maturity_bins = jax.random.randint(ks[2], (BATCH,), 0, N_BINS)
    # Stacked per-expert MLP parameters (Linear -> ReLU -> Linear -> ReLU -> Linear)
    s1 = 1.0 / np.sqrt(INPUT_DIM)
    s2 = 1.0 / np.sqrt(H1)
    s3 = 1.0 / np.sqrt(H2)
    W1 = jax.random.uniform(ks[3], (N_EXPERTS, INPUT_DIM, H1), dtype=jnp.float32, minval=-s1, maxval=s1)
    b1 = jax.random.uniform(ks[4], (N_EXPERTS, H1), dtype=jnp.float32, minval=-s1, maxval=s1)
    W2 = jax.random.uniform(ks[5], (N_EXPERTS, H1, H2), dtype=jnp.float32, minval=-s2, maxval=s2)
    b2 = jax.random.uniform(ks[6], (N_EXPERTS, H2), dtype=jnp.float32, minval=-s2, maxval=s2)
    W3 = jax.random.uniform(ks[7], (N_EXPERTS, H2, OUT_DIM), dtype=jnp.float32, minval=-s3, maxval=s3)
    b3 = jax.random.uniform(ks[8], (N_EXPERTS, OUT_DIM), dtype=jnp.float32, minval=-s3, maxval=s3)
    return {"x": x, "moneyness_bins": moneyness_bins, "maturity_bins": maturity_bins,
            "W1": W1, "b1": b1, "W2": W2, "b2": b2, "W3": W3, "b3": b3}


def reference(x, moneyness_bins, maturity_bins, W1, b1, W2, b2, W3, b3):
    # ExpertPool.forward_routed: each sample routed to expert flat_idx = i*N + j.
    flat_indices = moneyness_bins * N_BINS + maturity_bins
    out = jnp.zeros((x.shape[0], OUT_DIM), dtype=x.dtype)
    for e in range(N_EXPERTS):
        h = jax.nn.relu(x @ W1[e] + b1[e])
        h = jax.nn.relu(h @ W2[e] + b2[e])
        y = h @ W3[e] + b3[e]
        mask = (flat_indices == e)[:, None]
        out = jnp.where(mask, y, out)
    return out

if __name__ == "__main__":
    import jax
    _d = setup_inputs()
    print(jax.jit(kernel)(*tuple(_d.values())))

</pallas_src>

<mosaic_0001>
#map = affine_map<(d0, d1) -> (0, 0)>
#map1 = affine_map<(d0, d1) -> (0)>
module attributes {stable_mosaic.version = 14 : i64} {
  func.func @_sc_gather(%arg0: i32, %arg1: i32, %arg2: memref<32x512xi32, #tpu.memory_space<hbm>>, %arg3: memref<32768xf32, #tpu.memory_space<hbm>>, %arg4: memref<16384xf32, #tpu.memory_space<hbm>>, %arg5: memref<528xi32, #tpu.memory_space<vmem>>, %arg6: memref<32784xf32, #tpu.memory_space<vmem>>, %arg7: memref<512xf32, #tpu.memory_space<vmem>>, %arg8: memref<!tpu.dma_semaphore, #tpu.memory_space<semaphore_mem>>) attributes {dimension_semantics = [#tpu.dimension_semantics<core_parallel>, #tpu.dimension_semantics<subcore_parallel>], iteration_bounds = array<i64: 2, 16>, scalar_prefetch = 0 : i64, scratch_operands = 4 : i64, tpu.core_type = #tpu.core_type<sc_vector_subcore>, window_params = [{transform_indices = #map}, {transform_indices = #map1}, {transform_indices = #map1}]} {
    %mul3A = arith.constant 2 : i32
    %mul3A_0 = arith.muli %arg1, %mul3A : i32
    %add3A = arith.addi %mul3A_0, %arg0 : i32
    "tpu.region"() ({
      %run_scoped3A = tpu.sem_alloc : memref<!tpu.dma_semaphore, #tpu.memory_space<semaphore_mem>>
      %dma_start3A = arith.constant 0 : i32
      %dma_start3A_8 = tpu.memref_slice %arg5[%dma_start3A] : memref<528xi32, #tpu.memory_space<vmem>> -> memref<512xi32, #tpu.memory_space<vmem>>
      %dma_start3A_9 = arith.constant 0 : i32
      %dma_start3A_10 = tpu.memref_slice %arg2[%add3A, %dma_start3A_9] : memref<32x512xi32, #tpu.memory_space<hbm>> -> memref<1x512xi32, #tpu.memory_space<hbm>>
      %dma_start3A_11 = tpu.memref_squeeze %dma_start3A_10 : memref<1x512xi32, #tpu.memory_space<hbm>> -> memref<512xi32, #tpu.memory_space<hbm>>
      %dma_start3A_12 = arith.constant 0 : i32
      %dma_start3A_13 = tpu.memref_slice %arg5[%dma_start3A_12] : memref<528xi32, #tpu.memory_space<vmem>> -> memref<512xi32, #tpu.memory_space<vmem>>
      %dma_start3A_14 = arith.constant 0 : i32
      %dma_start3A_15 = tpu.memref_slice %arg2[%add3A, %dma_start3A_14] : memref<32x512xi32, #tpu.memory_space<hbm>> -> memref<1x512xi32, #tpu.memory_space<hbm>>
      %dma_start3A_16 = tpu.memref_squeeze %dma_start3A_15 : memref<1x512xi32, #tpu.memory_space<hbm>> -> memref<512xi32, #tpu.memory_space<hbm>>
      tpu.enqueue_dma source(%dma_start3A_16 : memref<512xi32, #tpu.memory_space<hbm>>) target(%dma_start3A_13 : memref<512xi32, #tpu.memory_space<vmem>>) target_semaphore(%run_scoped3A : memref<!tpu.dma_semaphore, #tpu.memory_space<semaphore_mem>>)
      %dma_wait3A = arith.constant 0 : i32
      %dma_wait3A_17 = tpu.memref_slice %arg5[%dma_wait3A] : memref<528xi32, #tpu.memory_space<vmem>> -> memref<512xi32, #tpu.memory_space<vmem>>
      %dma_wait3A_18 = arith.constant 0 : i32
      %dma_wait3A_19 = tpu.memref_slice %arg2[%add3A, %dma_wait3A_18] : memref<32x512xi32, #tpu.memory_space<hbm>> -> memref<1x512xi32, #tpu.memory_space<hbm>>
      %dma_wait3A_20 = tpu.memref_squeeze %dma_wait3A_19 : memref<1x512xi32, #tpu.memory_space<hbm>> -> memref<512xi32, #tpu.memory_space<hbm>>
      %dma_wait3A_21 = arith.constant 0 : i32
      %dma_wait3A_22 = tpu.memref_slice %arg5[%dma_wait3A_21] : memref<528xi32, #tpu.memory_space<vmem>> -> memref<512xi32, #tpu.memory_space<vmem>>
      %dma_wait3A_23 = arith.constant 0 : i32
      %dma_wait3A_24 = tpu.memref_slice %arg2[%add3A, %dma_wait3A_23] : memref<32x512xi32, #tpu.memory_space<hbm>> -> memref<1x512xi32, #tpu.memory_space<hbm>>
      %dma_wait3A_25 = tpu.memref_squeeze %dma_wait3A_24 : memref<1x512xi32, #tpu.memory_space<hbm>> -> memref<512xi32, #tpu.memory_space<hbm>>
      tpu.wait_dma2 semaphore(%run_scoped3A : memref<!tpu.dma_semaphore, #tpu.memory_space<semaphore_mem>>) src(%dma_wait3A_25 : memref<512xi32, #tpu.memory_space<hbm>>) dst(%dma_wait3A_22 : memref<512xi32, #tpu.memory_space<vmem>>)
      tpu.yield
    }) : () -> ()
    "tpu.region"() ({
      %run_scoped3A = tpu.sem_alloc : memref<!tpu.dma_semaphore, #tpu.memory_space<semaphore_mem>>
      %dma_start3A = arith.constant 0 : i32
      %dma_start3A_8 = tpu.memref_slice %arg6[%dma_start3A] : memref<32784xf32, #tpu.memory_space<vmem>> -> memref<32768xf32, #tpu.memory_space<vmem>>
      %dma_start3A_9 = arith.constant 0 : i32
      %dma_start3A_10 = tpu.memref_slice %arg6[%dma_start3A_9] : memref<32784xf32, #tpu.memory_space<vmem>> -> memref<32768xf32, #tpu.memory_space<vmem>>
      tpu.enqueue_dma source(%arg3 : memref<32768xf32, #tpu.memory_space<hbm>>) target(%dma_start3A_10 : memref<32768xf32, #tpu.memory_space<vmem>>) target_semaphore(%run_scoped3A : memref<!tpu.dma_semaphore, #tpu.memory_space<semaphore_mem>>)
      %dma_wait3A = arith.constant 0 : i32
      %dma_wait3A_11 = tpu.memref_slice %arg6[%dma_wait3A] : memref<32784xf32, #tpu.memory_space<vmem>> -> memref<32768xf32, #tpu.memory_space<vmem>>
      %dma_wait3A_12 = arith.constant 0 : i32
      %dma_wait3A_13 = tpu.memref_slice %arg6[%dma_wait3A_12] : memref<32784xf32, #tpu.memory_space<vmem>> -> memref<32768xf32, #tpu.memory_space<vmem>>
      tpu.wait_dma2 semaphore(%run_scoped3A : memref<!tpu.dma_semaphore, #tpu.memory_space<semaphore_mem>>) src(%arg3 : memref<32768xf32, #tpu.memory_space<hbm>>) dst(%dma_wait3A_13 : memref<32768xf32, #tpu.memory_space<vmem>>)
      tpu.yield
    }) : () -> ()
    %iota3A = tpu.iota {dimensions = array<i32: 0>} : vector<16xi32>
    %scan3A = arith.constant 0 : i32
    %scan3A_1 = arith.constant 0 : i32
    %scan3A_2 = arith.constant 32 : i32
    %scan3A_3 = arith.addi %scan3A_1, %scan3A_2 : i32
    %scan3A_4 = arith.constant 1 : i32
    scf.for %scan3A_8 = %scan3A_1 to %scan3A_3 step %scan3A_4  : i32 {
      %mul3A_9 = arith.constant 16 : i32
      %mul3A_10 = arith.muli %scan3A_8, %mul3A_9 : i32
      %get3A = arith.index_cast %mul3A_10 : i32 to index
      %get3A_11 = tpu.vector_load %arg5[%get3A] {strides = array<i32>} : memref<528xi32, #tpu.memory_space<vmem>>, vector<16xi32>,
      %get3A_12 = vector.shape_cast %get3A_11 : vector<16xi32> to vector<16xi32>
      %broadcast_in_dim3A = arith.constant 0.000000e+00 : f32
      %broadcast_in_dim3A_13 = vector.broadcast %broadcast_in_dim3A : f32 to vector<16xf32>
      %slice3A = vector.extract_strided_slice %get3A_12 {offsets = [0], sizes = [1], strides = [1]} : vector<16xi32> to vector<1xi32>
      %squeeze3A = vector.extract %slice3A[0] : i32 from vector<1xi32>
      %get3A_14 = arith.index_cast %squeeze3A : i32 to index
      %get3A_15 = tpu.vector_load %arg6[%get3A_14] {strides = array<i32>} : memref<32784xf32, #tpu.memory_space<vmem>>, vector<16xf32>,
      %get3A_16 = vector.shape_cast %get3A_15 : vector<16xf32> to vector<16xf32>
      %eq3A = arith.constant 0 : i32
      %eq3A_17 = vector.broadcast %eq3A : i32 to vector<16xi32>
      %eq3A_18 = arith.cmpi eq, %iota3A, %eq3A_17 : vector<16xi32>
      %slice3A_19 = vector.extract_strided_slice %get3A_16 {offsets = [0], sizes = [1], strides = [1]} : vector<16xf32> to vector<1xf32>
      %squeeze3A_20 = vector.extract %slice3A_19[0] : f32 from vector<1xf32>
      %broadcast_in_dim3A_21 = vector.broadcast %squeeze3A_20 : f32 to vector<16xf32>
      %select_n3A = arith.select %eq3A_18, %broadcast_in_dim3A_21, %broadcast_in_dim3A_13 : vector<16xi1>, vector<16xf32>
      %slice3A_22 = vector.extract_strided_slice %get3A_12 {offsets = [1], sizes = [1], strides = [1]} : vector<16xi32> to vector<1xi32>
      %squeeze3A_23 = vector.extract %slice3A_22[0] : i32 from vector<1xi32>
      %get3A_24 = arith.index_cast %squeeze3A_23 : i32 to index
      %get3A_25 = tpu.vector_load %arg6[%get3A_24] {strides = array<i32>} : memref<32784xf32, #tpu.memory_space<vmem>>, vector<16xf32>,
      %get3A_26 = vector.shape_cast %get3A_25 : vector<16xf32> to vector<16xf32>
      %eq3A_27 = arith.constant 1 : i32
      %eq3A_28 = vector.broadcast %eq3A_27 : i32 to vector<16xi32>
      %eq3A_29 = arith.cmpi eq, %iota3A, %eq3A_28 : vector<16xi32>
      %slice3A_30 = vector.extract_strided_slice %get3A_26 {offsets = [0], sizes = [1], strides = [1]} : vector<16xf32> to vector<1xf32>
      %squeeze3A_31 = vector.extract %slice3A_30[0] : f32 from vector<1xf32>
      %broadcast_in_dim3A_32 = vector.broadcast %squeeze3A_31 : f32 to vector<16xf32>
      %select_n3A_33 = arith.select %eq3A_29, %broadcast_in_dim3A_32, %select_n3A : vector<16xi1>, vector<16xf32>
      %slice3A_34 = vector.extract_strided_slice %get3A_12 {offsets = [2], sizes = [1], strides = [1]} : vector<16xi32> to vector<1xi32>
      %squeeze3A_35 = vector.extract %slice3A_34[0] : i32 from vector<1xi32>
      %get3A_36 = arith.index_cast %squeeze3A_35 : i32 to index
      %get3A_37 = tpu.vector_load %arg6[%get3A_36] {strides = array<i32>} : memref<32784xf32, #tpu.memory_space<vmem>>, vector<16xf32>,
      %get3A_38 = vector.shape_cast %get3A_37 : vector<16xf32> to vector<16xf32>
      %eq3A_39 = arith.constant 2 : i32
      %eq3A_40 = vector.broadcast %eq3A_39 : i32 to vector<16xi32>
      %eq3A_41 = arith.cmpi eq, %iota3A, %eq3A_40 : vector<16xi32>
      %slice3A_42 = vector.extract_strided_slice %get3A_38 {offsets = [0], sizes = [1], strides = [1]} : vector<16xf32> to vector<1xf32>
      %squeeze3A_43 = vector.extract %slice3A_42[0] : f32 from vector<1xf32>
      %broadcast_in_dim3A_44 = vector.broadcast %squeeze3A_43 : f32 to vector<16xf32>
      %select_n3A_45 = arith.select %eq3A_41, %broadcast_in_dim3A_44, %select_n3A_33 : vector<16xi1>, vector<16xf32>
      %slice3A_46 = vector.extract_strided_slice %get3A_12 {offsets = [3], sizes = [1], strides = [1]} : vector<16xi32> to vector<1xi32>
      %squeeze3A_47 = vector.extract %slice3A_46[0] : i32 from vector<1xi32>
      %get3A_48 = arith.index_cast %squeeze3A_47 : i32 to index
      %get3A_49 = tpu.vector_load %arg6[%get3A_48] {strides = array<i32>} : memref<32784xf32, #tpu.memory_space<vmem>>, vector<16xf32>,
      %get3A_50 = vector.shape_cast %get3A_49 : vector<16xf32> to vector<16xf32>
      %eq3A_51 = arith.constant 3 : i32
      %eq3A_52 = vector.broadcast %eq3A_51 : i32 to vector<16xi32>
      %eq3A_53 = arith.cmpi eq, %iota3A, %eq3A_52 : vector<16xi32>
      %slice3A_54 = vector.extract_strided_slice %get3A_50 {offsets = [0], sizes = [1], strides = [1]} : vector<16xf32> to vector<1xf32>
      %squeeze3A_55 = vector.extract %slice3A_54[0] : f32 from vector<1xf32>
      %broadcast_in_dim3A_56 = vector.broadcast %squeeze3A_55 : f32 to vector<16xf32>
      %select_n3A_57 = arith.select %eq3A_53, %broadcast_in_dim3A_56, %select_n3A_45 : vector<16xi1>, vector<16xf32>
      %slice3A_58 = vector.extract_strided_slice %get3A_12 {offsets = [4], sizes = [1], strides = [1]} : vector<16xi32> to vector<1xi32>
      %squeeze3A_59 = vector.extract %slice3A_58[0] : i32 from vector<1xi32>
      %get3A_60 = arith.index_cast %squeeze3A_59 : i32 to index
      %get3A_61 = tpu.vector_load %arg6[%get3A_60] {strides = array<i32>} : memref<32784xf32, #tpu.memory_space<vmem>>, vector<16xf32>,
      %get3A_62 = vector.shape_cast %get3A_61 : vector<16xf32> to vector<16xf32>
      %eq3A_63 = arith.constant 4 : i32
      %eq3A_64 = vector.broadcast %eq3A_63 : i32 to vector<16xi32>
      %eq3A_65 = arith.cmpi eq, %iota3A, %eq3A_64 : vector<16xi32>
      %slice3A_66 = vector.extract_strided_slice %get3A_62 {offsets = [0], sizes = [1], strides = [1]} : vector<16xf32> to vector<1xf32>
      %squeeze3A_67 = vector.extract %slice3A_66[0] : f32 from vector<1xf32>
      %broadcast_in_dim3A_68 = vector.broadcast %squeeze3A_67 : f32 to vector<16xf32>
      %select_n3A_69 = arith.select %eq3A_65, %broadcast_in_dim3A_68, %select_n3A_57 : vector<16xi1>, vector<16xf32>
      %slice3A_70 = vector.extract_strided_slice %get3A_12 {offsets = [5], sizes = [1], strides = [1]} : vector<16xi32> to vector<1xi32>
      %squeeze3A_71 = vector.extract %slice3A_70[0] : i32 from vector<1xi32>
      %get3A_72 = arith.index_cast %squeeze3A_71 : i32 to index
      %get3A_73 = tpu.vector_load %arg6[%get3A_72] {strides = array<i32>} : memref<32784xf32, #tpu.memory_space<vmem>>, vector<16xf32>,
      %get3A_74 = vector.shape_cast %get3A_73 : vector<16xf32> to vector<16xf32>
      %eq3A_75 = arith.constant 5 : i32
      %eq3A_76 = vector.broadcast %eq3A_75 : i32 to vector<16xi32>
      %eq3A_77 = arith.cmpi eq, %iota3A, %eq3A_76 : vector<16xi32>
      %slice3A_78 = vector.extract_strided_slice %get3A_74 {offsets = [0], sizes = [1], strides = [1]} : vector<16xf32> to vector<1xf32>
      %squeeze3A_79 = vector.extract %slice3A_78[0] : f32 from vector<1xf32>
      %broadcast_in_dim3A_80 = vector.broadcast %squeeze3A_79 : f32 to vector<16xf32>
      %select_n3A_81 = arith.select %eq3A_77, %broadcast_in_dim3A_80, %select_n3A_69 : vector<16xi1>, vector<16xf32>
      %slice3A_82 = vector.extract_strided_slice %get3A_12 {offsets = [6], sizes = [1], strides = [1]} : vector<16xi32> to vector<1xi32>
      %squeeze3A_83 = vector.extract %slice3A_82[0] : i32 from vector<1xi32>
      %get3A_84 = arith.index_cast %squeeze3A_83 : i32 to index
      %get3A_85 = tpu.vector_load %arg6[%get3A_84] {strides = array<i32>} : memref<32784xf32, #tpu.memory_space<vmem>>, vector<16xf32>,
      %get3A_86 = vector.shape_cast %get3A_85 : vector<16xf32> to vector<16xf32>
      %eq3A_87 = arith.constant 6 : i32
      %eq3A_88 = vector.broadcast %eq3A_87 : i32 to vector<16xi32>
      %eq3A_89 = arith.cmpi eq, %iota3A, %eq3A_88 : vector<16xi32>
      %slice3A_90 = vector.extract_strided_slice %get3A_86 {offsets = [0], sizes = [1], strides = [1]} : vector<16xf32> to vector<1xf32>
      %squeeze3A_91 = vector.extract %slice3A_90[0] : f32 from vector<1xf32>
      %broadcast_in_dim3A_92 = vector.broadcast %squeeze3A_91 : f32 to vector<16xf32>
      %select_n3A_93 = arith.select %eq3A_89, %broadcast_in_dim3A_92, %select_n3A_81 : vector<16xi1>, vector<16xf32>
      %slice3A_94 = vector.extract_strided_slice %get3A_12 {offsets = [7], sizes = [1], strides = [1]} : vector<16xi32> to vector<1xi32>
      %squeeze3A_95 = vector.extract %slice3A_94[0] : i32 from vector<1xi32>
      %get3A_96 = arith.index_cast %squeeze3A_95 : i32 to index
      %get3A_97 = tpu.vector_load %arg6[%get3A_96] {strides = array<i32>} : memref<32784xf32, #tpu.memory_space<vmem>>, vector<16xf32>,
      %get3A_98 = vector.shape_cast %get3A_97 : vector<16xf32> to vector<16xf32>
      %eq3A_99 = arith.constant 7 : i32
      %eq3A_100 = vector.broadcast %eq3A_99 : i32 to vector<16xi32>
      %eq3A_101 = arith.cmpi eq, %iota3A, %eq3A_100 : vector<16xi32>
      %slice3A_102 = vector.extract_strided_slice %get3A_98 {offsets = [0], sizes = [1], strides = [1]} : vector<16xf32> to vector<1xf32>
      %squeeze3A_103 = vector.extract %slice3A_102[0] : f32 from vector<1xf32>
      %broadcast_in_dim3A_104 = vector.broadcast %squeeze3A_103 : f32 to vector<16xf32>
      %select_n3A_105 = arith.select %eq3A_101, %broadcast_in_dim3A_104, %select_n3A_93 : vector<16xi1>, vector<16xf32>
      %slice3A_106 = vector.extract_strided_slice %get3A_12 {offsets = [8], sizes = [1], strides = [1]} : vector<16xi32> to vector<1xi32>
      %squeeze3A_107 = vector.extract %slice3A_106[0] : i32 from vector<1xi32>
      %get3A_108 = arith.index_cast %squeeze3A_107 : i32 to index
      %get3A_109 = tpu.vector_load %arg6[%get3A_108] {strides = array<i32>} : memref<32784xf32, #tpu.memory_space<vmem>>, vector<16xf32>,
      %get3A_110 = vector.shape_cast %get3A_109 : vector<16xf32> to vector<16xf32>
      %eq3A_111 = arith.constant 8 : i32
      %eq3A_112 = vector.broadcast %eq3A_111 : i32 to vector<16xi32>
      %eq3A_113 = arith.cmpi eq, %iota3A, %eq3A_112 : vector<16xi32>
      %slice3A_114 = vector.extract_strided_slice %get3A_110 {offsets = [0], sizes = [1], strides = [1]} : vector<16xf32> to vector<1xf32>
      %squeeze3A_115 = vector.extract %slice3A_114[0] : f32 from vector<1xf32>
      %broadcast_in_dim3A_116 = vector.broadcast %squeeze3A_115 : f32 to vector<16xf32>
      %select_n3A_117 = arith.select %eq3A_113, %broadcast_in_dim3A_116, %select_n3A_105 : vector<16xi1>, vector<16xf32>
      %slice3A_118 = vector.extract_strided_slice %get3A_12 {offsets = [9], sizes = [1], strides = [1]} : vector<16xi32> to vector<1xi32>
      %squeeze3A_119 = vector.extract %slice3A_118[0] : i32 from vector<1xi32>
      %get3A_120 = arith.index_cast %squeeze3A_119 : i32 to index
      %get3A_121 = tpu.vector_load %arg6[%get3A_120] {strides = array<i32>} : memref<32784xf32, #tpu.memory_space<vmem>>, vector<16xf32>,
      %get3A_122 = vector.shape_cast %get3A_121 : vector<16xf32> to vector<16xf32>
      %eq3A_123 = arith.constant 9 : i32
      %eq3A_124 = vector.broadcast %eq3A_123 : i32 to vector<16xi32>
      %eq3A_125 = arith.cmpi eq, %iota3A, %eq3A_124 : vector<16xi32>
      %slice3A_126 = vector.extract_strided_slice %get3A_122 {offsets = [0], sizes = [1], strides = [1]} : vector<16xf32> to vector<1xf32>
      %squeeze3A_127 = vector.extract %slice3A_126[0] : f32 from vector<1xf32>
      %broadcast_in_dim3A_128 = vector.broadcast %squeeze3A_127 : f32 to vector<16xf32>
      %select_n3A_129 = arith.select %eq3A_125, %broadcast_in_dim3A_128, %select_n3A_117 : vector<16xi1>, vector<16xf32>
      %slice3A_130 = vector.extract_strided_slice %get3A_12 {offsets = [10], sizes = [1], strides = [1]} : vector<16xi32> to vector<1xi32>
      %squeeze3A_131 = vector.extract %slice3A_130[0] : i32 from vector<1xi32>
      %get3A_132 = arith.index_cast %squeeze3A_131 : i32 to index
      %get3A_133 = tpu.vector_load %arg6[%get3A_132] {strides = array<i32>} : memref<32784xf32, #tpu.memory_space<vmem>>, vector<16xf32>,
      %get3A_134 = vector.shape_cast %get3A_133 : vector<16xf32> to vector<16xf32>
      %eq3A_135 = arith.constant 10 : i32
      %eq3A_136 = vector.broadcast %eq3A_135 : i32 to vector<16xi32>
      %eq3A_137 = arith.cmpi eq, %iota3A, %eq3A_136 : vector<16xi32>
      %slice3A_138 = vector.extract_strided_slice %get3A_134 {offsets = [0], sizes = [1], strides = [1]} : vector<16xf32> to vector<1xf32>
      %squeeze3A_139 = vector.extract %slice3A_138[0] : f32 from vector<1xf32>
      %broadcast_in_dim3A_140 = vector.broadcast %squeeze3A_139 : f32 to vector<16xf32>
      %select_n3A_141 = arith.select %eq3A_137, %broadcast_in_dim3A_140, %select_n3A_129 : vector<16xi1>, vector<16xf32>
      %slice3A_142 = vector.extract_strided_slice %get3A_12 {offsets = [11], sizes = [1], strides = [1]} : vector<16xi32> to vector<1xi32>
      %squeeze3A_143 = vector.extract %slice3A_142[0] : i32 from vector<1xi32>
      %get3A_144 = arith.index_cast %squeeze3A_143 : i32 to index
      %get3A_145 = tpu.vector_load %arg6[%get3A_144] {strides = array<i32>} : memref<32784xf32, #tpu.memory_space<vmem>>, vector<16xf32>,
      %get3A_146 = vector.shape_cast %get3A_145 : vector<16xf32> to vector<16xf32>
      %eq3A_147 = arith.constant 11 : i32
      %eq3A_148 = vector.broadcast %eq3A_147 : i32 to vector<16xi32>
      %eq3A_149 = arith.cmpi eq, %iota3A, %eq3A_148 : vector<16xi32>
      %slice3A_150 = vector.extract_strided_slice %get3A_146 {offsets = [0], sizes = [1], strides = [1]} : vector<16xf32> to vector<1xf32>
      %squeeze3A_151 = vector.extract %slice3A_150[0] : f32 from vector<1xf32>
      %broadcast_in_dim3A_152 = vector.broadcast %squeeze3A_151 : f32 to vector<16xf32>
      %select_n3A_153 = arith.select %eq3A_149, %broadcast_in_dim3A_152, %select_n3A_141 : vector<16xi1>, vector<16xf32>
      %slice3A_154 = vector.extract_strided_slice %get3A_12 {offsets = [12], sizes = [1], strides = [1]} : vector<16xi32> to vector<1xi32>
      %squeeze3A_155 = vector.extract %slice3A_154[0] : i32 from vector<1xi32>
      %get3A_156 = arith.index_cast %squeeze3A_155 : i32 to index
      %get3A_157 = tpu.vector_load %arg6[%get3A_156] {strides = array<i32>} : memref<32784xf32, #tpu.memory_space<vmem>>, vector<16xf32>,
      %get3A_158 = vector.shape_cast %get3A_157 : vector<16xf32> to vector<16xf32>
      %eq3A_159 = arith.constant 12 : i32
      %eq3A_160 = vector.broadcast %eq3A_159 : i32 to vector<16xi32>
      %eq3A_161 = arith.cmpi eq, %iota3A, %eq3A_160 : vector<16xi32>
      %slice3A_162 = vector.extract_strided_slice %get3A_158 {offsets = [0], sizes = [1], strides = [1]} : vector<16xf32> to vector<1xf32>
      %squeeze3A_163 = vector.extract %slice3A_162[0] : f32 from vector<1xf32>
      %broadcast_in_dim3A_164 = vector.broadcast %squeeze3A_163 : f32 to vector<16xf32>
      %select_n3A_165 = arith.select %eq3A_161, %broadcast_in_dim3A_164, %select_n3A_153 : vector<16xi1>, vector<16xf32>
      %slice3A_166 = vector.extract_strided_slice %get3A_12 {offsets = [13], sizes = [1], strides = [1]} : vector<16xi32> to vector<1xi32>
      %squeeze3A_167 = vector.extract %slice3A_166[0] : i32 from vector<1xi32>
      %get3A_168 = arith.index_cast %squeeze3A_167 : i32 to index
      %get3A_169 = tpu.vector_load %arg6[%get3A_168] {strides = array<i32>} : memref<32784xf32, #tpu.memory_space<vmem>>, vector<16xf32>,
      %get3A_170 = vector.shape_cast %get3A_169 : vector<16xf32> to vector<16xf32>
      %eq3A_171 = arith.constant 13 : i32
      %eq3A_172 = vector.broadcast %eq3A_171 : i32 to vector<16xi32>
      %eq3A_173 = arith.cmpi eq, %iota3A, %eq3A_172 : vector<16xi32>
      %slice3A_174 = vector.extract_strided_slice %get3A_170 {offsets = [0], sizes = [1], strides = [1]} : vector<16xf32> to vector<1xf32>
      %squeeze3A_175 = vector.extract %slice3A_174[0] : f32 from vector<1xf32>
      %broadcast_in_dim3A_176 = vector.broadcast %squeeze3A_175 : f32 to vector<16xf32>
      %select_n3A_177 = arith.select %eq3A_173, %broadcast_in_dim3A_176, %select_n3A_165 : vector<16xi1>, vector<16xf32>
      %slice3A_178 = vector.extract_strided_slice %get3A_12 {offsets = [14], sizes = [1], strides = [1]} : vector<16xi32> to vector<1xi32>
      %squeeze3A_179 = vector.extract %slice3A_178[0] : i32 from vector<1xi32>
      %get3A_180 = arith.index_cast %squeeze3A_179 : i32 to index
      %get3A_181 = tpu.vector_load %arg6[%get3A_180] {strides = array<i32>} : memref<32784xf32, #tpu.memory_space<vmem>>, vector<16xf32>,
      %get3A_182 = vector.shape_cast %get3A_181 : vector<16xf32> to vector<16xf32>
      %eq3A_183 = arith.constant 14 : i32
      %eq3A_184 = vector.broadcast %eq3A_183 : i32 to vector<16xi32>
      %eq3A_185 = arith.cmpi eq, %iota3A, %eq3A_184 : vector<16xi32>
      %slice3A_186 = vector.extract_strided_slice %get3A_182 {offsets = [0], sizes = [1], strides = [1]} : vector<16xf32> to vector<1xf32>
      %squeeze3A_187 = vector.extract %slice3A_186[0] : f32 from vector<1xf32>
      %broadcast_in_dim3A_188 = vector.broadcast %squeeze3A_187 : f32 to vector<16xf32>
      %select_n3A_189 = arith.select %eq3A_185, %broadcast_in_dim3A_188, %select_n3A_177 : vector<16xi1>, vector<16xf32>
      %slice3A_190 = vector.extract_strided_slice %get3A_12 {offsets = [15], sizes = [1], strides = [1]} : vector<16xi32> to vector<1xi32>
      %squeeze3A_191 = vector.extract %slice3A_190[0] : i32 from vector<1xi32>
      %get3A_192 = arith.index_cast %squeeze3A_191 : i32 to index
      %get3A_193 = tpu.vector_load %arg6[%get3A_192] {strides = array<i32>} : memref<32784xf32, #tpu.memory_space<vmem>>, vector<16xf32>,
      %get3A_194 = vector.shape_cast %get3A_193 : vector<16xf32> to vector<16xf32>
      %eq3A_195 = arith.constant 15 : i32
      %eq3A_196 = vector.broadcast %eq3A_195 : i32 to vector<16xi32>
      %eq3A_197 = arith.cmpi eq, %iota3A, %eq3A_196 : vector<16xi32>
      %slice3A_198 = vector.extract_strided_slice %get3A_194 {offsets = [0], sizes = [1], strides = [1]} : vector<16xf32> to vector<1xf32>
      %squeeze3A_199 = vector.extract %slice3A_198[0] : f32 from vector<1xf32>
      %broadcast_in_dim3A_200 = vector.broadcast %squeeze3A_199 : f32 to vector<16xf32>
      %select_n3A_201 = arith.select %eq3A_197, %broadcast_in_dim3A_200, %select_n3A_189 : vector<16xi1>, vector<16xf32>
      %swap3A = arith.index_cast %mul3A_10 : i32 to index
      %swap3A_202 = tpu.vector_load %arg7[%swap3A] {strides = array<i32>} : memref<512xf32, #tpu.memory_space<vmem>>, vector<16xf32>,
      %swap3A_203 = vector.shape_cast %swap3A_202 : vector<16xf32> to vector<16xf32>
      %swap3A_204 = vector.shape_cast %select_n3A_201 : vector<16xf32> to vector<16xf32>
      tpu.vector_store %arg7[%swap3A], %swap3A_204 {strides = array<i32>} : memref<512xf32, #tpu.memory_space<vmem>>, vector<16xf32>,
    }
    %scan3A_5 = arith.constant 32 : i32
    %mul3A_6 = arith.constant 512 : i32
    %mul3A_7 = arith.muli %add3A, %mul3A_6 : i32
    "tpu.region"() ({
      %run_scoped3A = tpu.sem_alloc : memref<!tpu.dma_semaphore, #tpu.memory_space<semaphore_mem>>
      %dma_start3A = tpu.memref_slice %arg4[%mul3A_7] : memref<16384xf32, #tpu.memory_space<hbm>> -> memref<512xf32, #tpu.memory_space<hbm>>
      %dma_start3A_8 = tpu.memref_slice %arg4[%mul3A_7] : memref<16384xf32, #tpu.memory_space<hbm>> -> memref<512xf32, #tpu.memory_space<hbm>>
      tpu.enqueue_dma source(%arg7 : memref<512xf32, #tpu.memory_space<vmem>>) target(%dma_start3A_8 : memref<512xf32, #tpu.memory_space<hbm>>) target_semaphore(%run_scoped3A : memref<!tpu.dma_semaphore, #tpu.memory_space<semaphore_mem>>)
      %dma_wait3A = tpu.memref_slice %arg4[%mul3A_7] : memref<16384xf32, #tpu.memory_space<hbm>> -> memref<512xf32, #tpu.memory_space<hbm>>
      %dma_wait3A_9 = tpu.memref_slice %arg4[%mul3A_7] : memref<16384xf32, #tpu.memory_space<hbm>> -> memref<512xf32, #tpu.memory_space<hbm>>
      tpu.wait_dma2 semaphore(%run_scoped3A : memref<!tpu.dma_semaphore, #tpu.memory_space<semaphore_mem>>) src(%arg7 : memref<512xf32, #tpu.memory_space<vmem>>) dst(%dma_wait3A_9 : memref<512xf32, #tpu.memory_space<hbm>>)
      tpu.yield
    }) : () -> ()
    return
  }
}

#map = affine_map<(d0, d1) -> (0, 0, 0)>
#map1 = affine_map<(d0, d1) -> (0, 0)>
module attributes {stable_mosaic.version = 14 : i64} {
  func.func @_sc_scatter(%arg0: i32, %arg1: i32, %arg2: memref<32x4x128xi32, #tpu.memory_space<hbm>>, %arg3: memref<16384x128xf32, #tpu.memory_space<hbm>>, %arg4: memref<32768x128xf32, #tpu.memory_space<hbm>>, %arg5: memref<4x128xi32, #tpu.memory_space<vmem>>, %arg6: memref<512x128xf32, #tpu.memory_space<vmem>>, %arg7: memref<!tpu.dma_semaphore, #tpu.memory_space<semaphore_mem>>) attributes {dimension_semantics = [#tpu.dimension_semantics<core_parallel>, #tpu.dimension_semantics<subcore_parallel>], iteration_bounds = array<i64: 2, 16>, scalar_prefetch = 0 : i64, scratch_operands = 3 : i64, tpu.core_type = #tpu.core_type<sc_vector_subcore>, window_params = [{transform_indices = #map}, {transform_indices = #map1}, {transform_indices = #map1}]} {
    %mul3A = arith.constant 2 : i32
    %mul3A_0 = arith.muli %arg1, %mul3A : i32
    %add3A = arith.addi %mul3A_0, %arg0 : i32
    "tpu.region"() ({
      %run_scoped3A = tpu.sem_alloc : memref<!tpu.dma_semaphore, #tpu.memory_space<semaphore_mem>>
      %dma_start3A_81 = arith.constant 0 : i32
      %dma_start3A_82 = arith.constant 0 : i32
      %dma_start3A_83 = tpu.memref_slice %arg2[%add3A, %dma_start3A_81, %dma_start3A_82] : memref<32x4x128xi32, #tpu.memory_space<hbm>> -> memref<1x4x128xi32, #tpu.memory_space<hbm>>
      %dma_start3A_84 = tpu.memref_squeeze %dma_start3A_83 : memref<1x4x128xi32, #tpu.memory_space<hbm>> -> memref<4x128xi32, #tpu.memory_space<hbm>>
      %dma_start3A_85 = arith.constant 0 : i32
      %dma_start3A_86 = arith.constant 0 : i32
      %dma_start3A_87 = tpu.memref_slice %arg2[%add3A, %dma_start3A_85, %dma_start3A_86] : memref<32x4x128xi32, #tpu.memory_space<hbm>> -> memref<1x4x128xi32, #tpu.memory_space<hbm>>
      %dma_start3A_88 = tpu.memref_squeeze %dma_start3A_87 : memref<1x4x128xi32, #tpu.memory_space<hbm>> -> memref<4x128xi32, #tpu.memory_space<hbm>>
      tpu.enqueue_dma source(%dma_start3A_88 : memref<4x128xi32, #tpu.memory_space<hbm>>) target(%arg5 : memref<4x128xi32, #tpu.memory_space<vmem>>) target_semaphore(%run_scoped3A : memref<!tpu.dma_semaphore, #tpu.memory_space<semaphore_mem>>)
      %dma_wait3A_89 = arith.constant 0 : i32
      %dma_wait3A_90 = arith.constant 0 : i32
      %dma_wait3A_91 = tpu.memref_slice %arg2[%add3A, %dma_wait3A_89, %dma_wait3A_90] : memref<32x4x128xi32, #tpu.memory_space<hbm>> -> memref<1x4x128xi32, #tpu.memory_space<hbm>>
      %dma_wait3A_92 = tpu.memref_squeeze %dma_wait3A_91 : memref<1x4x128xi32, #tpu.memory_space<hbm>> -> memref<4x128xi32, #tpu.memory_space<hbm>>
      %dma_wait3A_93 = arith.constant 0 : i32
      %dma_wait3A_94 = arith.constant 0 : i32
      %dma_wait3A_95 = tpu.memref_slice %arg2[%add3A, %dma_wait3A_93, %dma_wait3A_94] : memref<32x4x128xi32, #tpu.memory_space<hbm>> -> memref<1x4x128xi32, #tpu.memory_space<hbm>>
      %dma_wait3A_96 = tpu.memref_squeeze %dma_wait3A_95 : memref<1x4x128xi32, #tpu.memory_space<hbm>> -> memref<4x128xi32, #tpu.memory_space<hbm>>
      tpu.wait_dma2 semaphore(%run_scoped3A : memref<!tpu.dma_semaphore, #tpu.memory_space<semaphore_mem>>) src(%dma_wait3A_96 : memref<4x128xi32, #tpu.memory_space<hbm>>) dst(%arg5 : memref<4x128xi32, #tpu.memory_space<vmem>>)
      tpu.yield
    }) : () -> ()
    %mul3A_1 = arith.constant 512 : i32
    %mul3A_2 = arith.muli %add3A, %mul3A_1 : i32
    "tpu.region"() ({
      %run_scoped3A = tpu.sem_alloc : memref<!tpu.dma_semaphore, #tpu.memory_space<semaphore_mem>>
      %dma_start3A_81 = arith.constant 0 : i32
      %dma_start3A_82 = tpu.memref_slice %arg3[%mul3A_2, %dma_start3A_81] : memref<16384x128xf32, #tpu.memory_space<hbm>> -> memref<512x128xf32, #tpu.memory_space<hbm>>
      %dma_start3A_83 = arith.constant 0 : i32
      %dma_start3A_84 = tpu.memref_slice %arg3[%mul3A_2, %dma_start3A_83] : memref<16384x128xf32, #tpu.memory_space<hbm>> -> memref<512x128xf32, #tpu.memory_space<hbm>>
      tpu.enqueue_dma source(%dma_start3A_84 : memref<512x128xf32, #tpu.memory_space<hbm>>) target(%arg6 : memref<512x128xf32, #tpu.memory_space<vmem>>) target_semaphore(%run_scoped3A : memref<!tpu.dma_semaphore, #tpu.memory_space<semaphore_mem>>)
      %dma_wait3A_85 = arith.constant 0 : i32
      %dma_wait3A_86 = tpu.memref_slice %arg3[%mul3A_2, %dma_wait3A_85] : memref<16384x128xf32, #tpu.memory_space<hbm>> -> memref<512x128xf32, #tpu.memory_space<hbm>>
      %dma_wait3A_87 = arith.constant 0 : i32
      %dma_wait3A_88 = tpu.memref_slice %arg3[%mul3A_2, %dma_wait3A_87] : memref<16384x128xf32, #tpu.memory_space<hbm>> -> memref<512x128xf32, #tpu.memory_space<hbm>>
      tpu.wait_dma2 semaphore(%run_scoped3A : memref<!tpu.dma_semaphore, #tpu.memory_space<semaphore_mem>>) src(%dma_wait3A_88 : memref<512x128xf32, #tpu.memory_space<hbm>>) dst(%arg6 : memref<512x128xf32, #tpu.memory_space<vmem>>)
      tpu.yield
    }) : () -> ()
    %dma_start3A = arith.constant 0 : i32
    %dma_start3A_3 = arith.constant 0 : i32
    %dma_start3A_4 = arith.constant 0 : i32
    %dma_start3A_5 = tpu.memref_slice %arg6[%dma_start3A_3, %dma_start3A_4] : memref<512x128xf32, #tpu.memory_space<vmem>> -> memref<128x128xf32, #tpu.memory_space<vmem>>
    %dma_start3A_6 = arith.constant 0 : i32
    %dma_start3A_7 = tpu.memref_slice %arg5[%dma_start3A, %dma_start3A_6] : memref<4x128xi32, #tpu.memory_space<vmem>> -> memref<1x128xi32, #tpu.memory_space<vmem>>
    %dma_start3A_8 = tpu.memref_squeeze %dma_start3A_7 : memref<1x128xi32, #tpu.memory_space<vmem>> -> memref<128xi32, #tpu.memory_space<vmem>>
    %dma_start3A_9 = arith.constant 0 : i32
    %dma_start3A_10 = arith.constant 0 : i32
    %dma_start3A_11 = tpu.memref_slice %arg4[%dma_start3A_9, %dma_start3A_10] : memref<32768x128xf32, #tpu.memory_space<hbm>> -> memref<32768x128xf32, #tpu.memory_space<hbm>>
    tpu.enqueue_indirect_dma source(%dma_start3A_5 : memref<128x128xf32, #tpu.memory_space<vmem>>) target(%dma_start3A_11 : memref<32768x128xf32, #tpu.memory_space<hbm>>) offsets(%dma_start3A_8 : memref<128xi32, #tpu.memory_space<vmem>>) semaphore(%arg7 : memref<!tpu.dma_semaphore, #tpu.memory_space<semaphore_mem>>)
    %dma_start3A_12 = arith.constant 1 : i32
    %dma_start3A_13 = arith.constant 128 : i32
    %dma_start3A_14 = arith.constant 0 : i32
    %dma_start3A_15 = tpu.memref_slice %arg6[%dma_start3A_13, %dma_start3A_14] : memref<512x128xf32, #tpu.memory_space<vmem>> -> memref<128x128xf32, #tpu.memory_space<vmem>>
    %dma_start3A_16 = arith.constant 0 : i32
    %dma_start3A_17 = tpu.memref_slice %arg5[%dma_start3A_12, %dma_start3A_16] : memref<4x128xi32, #tpu.memory_space<vmem>> -> memref<1x128xi32, #tpu.memory_space<vmem>>
    %dma_start3A_18 = tpu.memref_squeeze %dma_start3A_17 : memref<1x128xi32, #tpu.memory_space<vmem>> -> memref<128xi32, #tpu.memory_space<vmem>>
    %dma_start3A_19 = arith.constant 0 : i32
    %dma_start3A_20 = arith.constant 0 : i32
    %dma_start3A_21 = tpu.memref_slice %arg4[%dma_start3A_19, %dma_start3A_20] : memref<32768x128xf32, #tpu.memory_space<hbm>> -> memref<32768x128xf32, #tpu.memory_space<hbm>>
    tpu.enqueue_indirect_dma source(%dma_start3A_15 : memref<128x128xf32, #tpu.memory_space<vmem>>) target(%dma_start3A_21 : memref<32768x128xf32, #tpu.memory_space<hbm>>) offsets(%dma_start3A_18 : memref<128xi32, #tpu.memory_space<vmem>>) semaphore(%arg7 : memref<!tpu.dma_semaphore, #tpu.memory_space<semaphore_mem>>)
    %dma_start3A_22 = arith.constant 2 : i32
    %dma_start3A_23 = arith.constant 256 : i32
    %dma_start3A_24 = arith.constant 0 : i32
    %dma_start3A_25 = tpu.memref_slice %arg6[%dma_start3A_23, %dma_start3A_24] : memref<512x128xf32, #tpu.memory_space<vmem>> -> memref<128x128xf32, #tpu.memory_space<vmem>>
    %dma_start3A_26 = arith.constant 0 : i32
    %dma_start3A_27 = tpu.memref_slice %arg5[%dma_start3A_22, %dma_start3A_26] : memref<4x128xi32, #tpu.memory_space<vmem>> -> memref<1x128xi32, #tpu.memory_space<vmem>>
    %dma_start3A_28 = tpu.memref_squeeze %dma_start3A_27 : memref<1x128xi32, #tpu.memory_space<vmem>> -> memref<128xi32, #tpu.memory_space<vmem>>
    %dma_start3A_29 = arith.constant 0 : i32
    %dma_start3A_30 = arith.constant 0 : i32
    %dma_start3A_31 = tpu.memref_slice %arg4[%dma_start3A_29, %dma_start3A_30] : memref<32768x128xf32, #tpu.memory_space<hbm>> -> memref<32768x128xf32, #tpu.memory_space<hbm>>
    tpu.enqueue_indirect_dma source(%dma_start3A_25 : memref<128x128xf32, #tpu.memory_space<vmem>>) target(%dma_start3A_31 : memref<32768x128xf32, #tpu.memory_space<hbm>>) offsets(%dma_start3A_28 : memref<128xi32, #tpu.memory_space<vmem>>) semaphore(%arg7 : memref<!tpu.dma_semaphore, #tpu.memory_space<semaphore_mem>>)
    %dma_start3A_32 = arith.constant 3 : i32
    %dma_start3A_33 = arith.constant 384 : i32
    %dma_start3A_34 = arith.constant 0 : i32
    %dma_start3A_35 = tpu.memref_slice %arg6[%dma_start3A_33, %dma_start3A_34] : memref<512x128xf32, #tpu.memory_space<vmem>> -> memref<128x128xf32, #tpu.memory_space<vmem>>
    %dma_start3A_36 = arith.constant 0 : i32
    %dma_start3A_37 = tpu.memref_slice %arg5[%dma_start3A_32, %dma_start3A_36] : memref<4x128xi32, #tpu.memory_space<vmem>> -> memref<1x128xi32, #tpu.memory_space<vmem>>
    %dma_start3A_38 = tpu.memref_squeeze %dma_start3A_37 : memref<1x128xi32, #tpu.memory_space<vmem>> -> memref<128xi32, #tpu.memory_space<vmem>>
    %dma_start3A_39 = arith.constant 0 : i32
    %dma_start3A_40 = arith.constant 0 : i32
    %dma_start3A_41 = tpu.memref_slice %arg4[%dma_start3A_39, %dma_start3A_40] : memref<32768x128xf32, #tpu.memory_space<hbm>> -> memref<32768x128xf32, #tpu.memory_space<hbm>>
    tpu.enqueue_indirect_dma source(%dma_start3A_35 : memref<128x128xf32, #tpu.memory_space<vmem>>) target(%dma_start3A_41 : memref<32768x128xf32, #tpu.memory_space<hbm>>) offsets(%dma_start3A_38 : memref<128xi32, #tpu.memory_space<vmem>>) semaphore(%arg7 : memref<!tpu.dma_semaphore, #tpu.memory_space<semaphore_mem>>)
    %dma_wait3A = arith.constant 0 : i32
    %dma_wait3A_42 = arith.constant 0 : i32
    %dma_wait3A_43 = arith.constant 0 : i32
    %dma_wait3A_44 = tpu.memref_slice %arg6[%dma_wait3A_42, %dma_wait3A_43] : memref<512x128xf32, #tpu.memory_space<vmem>> -> memref<128x128xf32, #tpu.memory_space<vmem>>
    %dma_wait3A_45 = arith.constant 0 : i32
    %dma_wait3A_46 = tpu.memref_slice %arg5[%dma_wait3A, %dma_wait3A_45] : memref<4x128xi32, #tpu.memory_space<vmem>> -> memref<1x128xi32, #tpu.memory_space<vmem>>
    %dma_wait3A_47 = tpu.memref_squeeze %dma_wait3A_46 : memref<1x128xi32, #tpu.memory_space<vmem>> -> memref<128xi32, #tpu.memory_space<vmem>>
    %dma_wait3A_48 = arith.constant 0 : i32
    %dma_wait3A_49 = arith.constant 0 : i32
    %dma_wait3A_50 = tpu.memref_slice %arg4[%dma_wait3A_48, %dma_wait3A_49] : memref<32768x128xf32, #tpu.memory_space<hbm>> -> memref<32768x128xf32, #tpu.memory_space<hbm>>
    tpu.wait_indirect_dma semaphore(%arg7 : memref<!tpu.dma_semaphore, #tpu.memory_space<semaphore_mem>>) src(%dma_wait3A_44 : memref<128x128xf32, #tpu.memory_space<vmem>>) dst(%dma_wait3A_50 : memref<32768x128xf32, #tpu.memory_space<hbm>>)
    %dma_wait3A_51 = arith.constant 1 : i32
    %dma_wait3A_52 = arith.constant 128 : i32
    %dma_wait3A_53 = arith.constant 0 : i32
    %dma_wait3A_54 = tpu.memref_slice %arg6[%dma_wait3A_52, %dma_wait3A_53] : memref<512x128xf32, #tpu.memory_space<vmem>> -> memref<128x128xf32, #tpu.memory_space<vmem>>
    %dma_wait3A_55 = arith.constant 0 : i32
    %dma_wait3A_56 = tpu.memref_slice %arg5[%dma_wait3A_51, %dma_wait3A_55] : memref<4x128xi32, #tpu.memory_space<vmem>> -> memref<1x128xi32, #tpu.memory_space<vmem>>
    %dma_wait3A_57 = tpu.memref_squeeze %dma_wait3A_56 : memref<1x128xi32, #tpu.memory_space<vmem>> -> memref<128xi32, #tpu.memory_space<vmem>>
    %dma_wait3A_58 = arith.constant 0 : i32
    %dma_wait3A_59 = arith.constant 0 : i32
    %dma_wait3A_60 = tpu.memref_slice %arg4[%dma_wait3A_58, %dma_wait3A_59] : memref<32768x128xf32, #tpu.memory_space<hbm>> -> memref<32768x128xf32, #tpu.memory_space<hbm>>
    tpu.wait_indirect_dma semaphore(%arg7 : memref<!tpu.dma_semaphore, #tpu.memory_space<semaphore_mem>>) src(%dma_wait3A_54 : memref<128x128xf32, #tpu.memory_space<vmem>>) dst(%dma_wait3A_60 : memref<32768x128xf32, #tpu.memory_space<hbm>>)
    %dma_wait3A_61 = arith.constant 2 : i32
    %dma_wait3A_62 = arith.constant 256 : i32
    %dma_wait3A_63 = arith.constant 0 : i32
    %dma_wait3A_64 = tpu.memref_slice %arg6[%dma_wait3A_62, %dma_wait3A_63] : memref<512x128xf32, #tpu.memory_space<vmem>> -> memref<128x128xf32, #tpu.memory_space<vmem>>
    %dma_wait3A_65 = arith.constant 0 : i32
    %dma_wait3A_66 = tpu.memref_slice %arg5[%dma_wait3A_61, %dma_wait3A_65] : memref<4x128xi32, #tpu.memory_space<vmem>> -> memref<1x128xi32, #tpu.memory_space<vmem>>
    %dma_wait3A_67 = tpu.memref_squeeze %dma_wait3A_66 : memref<1x128xi32, #tpu.memory_space<vmem>> -> memref<128xi32, #tpu.memory_space<vmem>>
    %dma_wait3A_68 = arith.constant 0 : i32
    %dma_wait3A_69 = arith.constant 0 : i32
    %dma_wait3A_70 = tpu.memref_slice %arg4[%dma_wait3A_68, %dma_wait3A_69] : memref<32768x128xf32, #tpu.memory_space<hbm>> -> memref<32768x128xf32, #tpu.memory_space<hbm>>
    tpu.wait_indirect_dma semaphore(%arg7 : memref<!tpu.dma_semaphore, #tpu.memory_space<semaphore_mem>>) src(%dma_wait3A_64 : memref<128x128xf32, #tpu.memory_space<vmem>>) dst(%dma_wait3A_70 : memref<32768x128xf32, #tpu.memory_space<hbm>>)
    %dma_wait3A_71 = arith.constant 3 : i32
    %dma_wait3A_72 = arith.constant 384 : i32
    %dma_wait3A_73 = arith.constant 0 : i32
    %dma_wait3A_74 = tpu.memref_slice %arg6[%dma_wait3A_72, %dma_wait3A_73] : memref<512x128xf32, #tpu.memory_space<vmem>> -> memref<128x128xf32, #tpu.memory_space<vmem>>
    %dma_wait3A_75 = arith.constant 0 : i32
    %dma_wait3A_76 = tpu.memref_slice %arg5[%dma_wait3A_71, %dma_wait3A_75] : memref<4x128xi32, #tpu.memory_space<vmem>> -> memref<1x128xi32, #tpu.memory_space<vmem>>
    %dma_wait3A_77 = tpu.memref_squeeze %dma_wait3A_76 : memref<1x128xi32, #tpu.memory_space<vmem>> -> memref<128xi32, #tpu.memory_space<vmem>>
    %dma_wait3A_78 = arith.constant 0 : i32
    %dma_wait3A_79 = arith.constant 0 : i32
    %dma_wait3A_80 = tpu.memref_slice %arg4[%dma_wait3A_78, %dma_wait3A_79] : memref<32768x128xf32, #tpu.memory_space<hbm>> -> memref<32768x128xf32, #tpu.memory_space<hbm>>
    tpu.wait_indirect_dma semaphore(%arg7 : memref<!tpu.dma_semaphore, #tpu.memory_space<semaphore_mem>>) src(%dma_wait3A_74 : memref<128x128xf32, #tpu.memory_space<vmem>>) dst(%dma_wait3A_80 : memref<32768x128xf32, #tpu.memory_space<hbm>>)
    return
  }
}

module attributes {stable_mosaic.version = 14 : i64} {
  func.func @_routing_body(%arg0: memref<128x128xi32, #tpu.memory_space<vmem>>, %arg1: memref<128x128xi32, #tpu.memory_space<vmem>>, %arg2: memref<23x16384xf32, #tpu.memory_space<vmem>>, %arg3: memref<128x128xi32, #tpu.memory_space<vmem>>, %arg4: memref<8x128xi32, #tpu.memory_space<vmem>>, %arg5: memref<16384x128xf32, #tpu.memory_space<vmem>>) attributes {dimension_semantics = [], scalar_prefetch = 0 : i64, scratch_operands = 0 : i64, tpu.core_type = #tpu.core_type<tc>} {
    %iota3A = tpu.iota {dimensions = array<i32: 0>} : vector<23x128xi32>
    %iota3A_0 = tpu.iota {dimensions = array<i32: 1>} : vector<23x128xi32>
    %eq3A = arith.cmpi eq, %iota3A, %iota3A_0 : vector<23x128xi32>
    %convert_element_type3A = arith.extui %eq3A : vector<23x128xi1> to vector<23x128xi32>
    %convert_element_type3A_1 = arith.sitofp %convert_element_type3A : vector<23x128xi32> to vector<23x128xf32>
    %get3A = arith.constant 0 : index
    %get3A_2 = arith.constant 0 : index
    %get3A_3 = vector.load %arg2[%get3A, %get3A_2] : memref<23x16384xf32, #tpu.memory_space<vmem>>, vector<23x16384xf32>
    %dot_general3A = arith.constant dense<0.000000e+00> : vector<16384x128xf32>
    %dot_general3A_4 = tpu.matmul %get3A_3, %convert_element_type3A_1, %dot_general3A {dimension_numbers = #tpu.dot_dimension_numbers<[0], [0], [1], [1], [0, 1, 1, 1], [], []>, transpose_lhs_hint = false} : vector<23x16384xf32>, vector<23x128xf32>, vector<16384x128xf32> -> vector<16384x128xf32>
    %swap3A = arith.constant 0 : index
    %swap3A_5 = arith.constant 0 : index
    %swap3A_6 = vector.load %arg5[%swap3A, %swap3A_5] : memref<16384x128xf32, #tpu.memory_space<vmem>>, vector<16384x128xf32>
    tpu.vector_store %arg5[%swap3A, %swap3A_5], %dot_general3A_4 {strides = array<i32>} : memref<16384x128xf32, #tpu.memory_space<vmem>>, vector<16384x128xf32>,
    %get3A_7 = arith.constant 0 : index
    %get3A_8 = arith.constant 0 : index
    %get3A_9 = vector.load %arg0[%get3A_7, %get3A_8] : memref<128x128xi32, #tpu.memory_space<vmem>>, vector<128x128xi32>
    %mul3A = arith.constant 4 : i32
    %mul3A_10 = vector.broadcast %mul3A : i32 to vector<128x128xi32>
    %mul3A_11 = arith.muli %get3A_9, %mul3A_10 : vector<128x128xi32>
    %get3A_12 = arith.constant 0 : index
    %get3A_13 = arith.constant 0 : index
    %get3A_14 = vector.load %arg1[%get3A_12, %get3A_13] : memref<128x128xi32, #tpu.memory_space<vmem>>, vector<128x128xi32>
    %add3A = arith.addi %mul3A_11, %get3A_14 : vector<128x128xi32>
    %iota3A_15 = tpu.iota {dimensions = array<i32: 0>} : vector<128x128xi32>
    %iota3A_16 = tpu.iota {dimensions = array<i32: 1>} : vector<128x128xi32>
    %le3A = arith.cmpi sle, %iota3A_15, %iota3A_16 : vector<128x128xi32>
    %convert_element_type3A_17 = arith.extui %le3A : vector<128x128xi1> to vector<128x128xi32>
    %convert_element_type3A_18 = arith.sitofp %convert_element_type3A_17 : vector<128x128xi32> to vector<128x128xf32>
    %lt3A = arith.cmpi slt, %iota3A_16, %iota3A_15 : vector<128x128xi32>
    %convert_element_type3A_19 = arith.extui %lt3A : vector<128x128xi1> to vector<128x128xi32>
    %convert_element_type3A_20 = arith.sitofp %convert_element_type3A_19 : vector<128x128xi32> to vector<128x128xf32>
    %broadcast_in_dim3A = arith.constant 1.000000e+00 : f32
    %broadcast_in_dim3A_21 = vector.broadcast %broadcast_in_dim3A : f32 to vector<128x128xf32>
    %broadcast_in_dim3A_22 = arith.constant 0.000000e+00 : f32
    %broadcast_in_dim3A_23 = vector.broadcast %broadcast_in_dim3A_22 : f32 to vector<128x128xf32>
    %eq3A_24 = arith.constant 0 : i32
    %eq3A_25 = vector.broadcast %eq3A_24 : i32 to vector<128x128xi32>
    %eq3A_26 = arith.cmpi eq, %add3A, %eq3A_25 : vector<128x128xi32>
    %convert_element_type3A_27 = arith.extui %eq3A_26 : vector<128x128xi1> to vector<128x128xi32>
    %convert_element_type3A_28 = arith.sitofp %convert_element_type3A_27 : vector<128x128xi32> to vector<128x128xf32>
    %dot_general3A_29 = arith.constant dense<0.000000e+00> : vector<128x128xf32>
    %dot_general3A_30 = tpu.matmul %convert_element_type3A_28, %convert_element_type3A_18, %dot_general3A_29 {dimension_numbers = #tpu.dot_dimension_numbers<[1], [0], [0], [1], [0, 0, 1, 1], [], []>, transpose_lhs_hint = false} : vector<128x128xf32>, vector<128x128xf32>, vector<128x128xf32> -> vector<128x128xf32>
    %dot_general3A_31 = arith.constant dense<0.000000e+00> : vector<128x128xf32>
    %dot_general3A_32 = tpu.matmul %convert_element_type3A_20, %convert_element_type3A_28, %dot_general3A_31 {dimension_numbers = #tpu.dot_dimension_numbers<[1], [0], [0], [1], [0, 0, 1, 1], [], []>, transpose_lhs_hint = false} : vector<128x128xf32>, vector<128x128xf32>, vector<128x128xf32> -> vector<128x128xf32>
    %dot_general3A_33 = arith.constant dense<0.000000e+00> : vector<128x128xf32>
    %dot_general3A_34 = tpu.matmul %dot_general3A_32, %broadcast_in_dim3A_21, %dot_general3A_33 {dimension_numbers = #tpu.dot_dimension_numbers<[1], [0], [0], [1], [0, 0, 1, 1], [], []>, transpose_lhs_hint = false} : vector<128x128xf32>, vector<128x128xf32>, vector<128x128xf32> -> vector<128x128xf32>
    %sub3A = arith.subf %dot_general3A_30, %convert_element_type3A_28 : vector<128x128xf32>
    %add3A_35 = arith.addf %sub3A, %dot_general3A_34 : vector<128x128xf32>
    %mul3A_36 = arith.mulf %convert_element_type3A_28, %add3A_35 : vector<128x128xf32>
    %add3A_37 = arith.addf %broadcast_in_dim3A_23, %mul3A_36 : vector<128x128xf32>
    %reduce_sum3A = vector.shape_cast %convert_element_type3A_28 : vector<128x128xf32> to vector<1x128x128xf32>
    %reduce_sum3A_38 = arith.constant dense<0.000000e+00> : vector<1xf32>
    %reduce_sum3A_39 = vector.multi_reduction <add>, %reduce_sum3A, %reduce_sum3A_38 [1, 2] : vector<1x128x128xf32> to vector<1xf32>
    %reduce_sum3A_40 = vector.shape_cast %reduce_sum3A_39 : vector<1xf32> to vector<1x1x1xf32>
    %reduce_sum3A_41 = vector.extract %reduce_sum3A_40[0, 0, 0] : f32 from vector<1x1x1xf32>
    %convert_element_type3A_42 = arith.fptosi %reduce_sum3A_41 : f32 to i32
    %eq3A_43 = arith.constant 1 : i32
    %eq3A_44 = vector.broadcast %eq3A_43 : i32 to vector<128x128xi32>
    %eq3A_45 = arith.cmpi eq, %add3A, %eq3A_44 : vector<128x128xi32>
    %convert_element_type3A_46 = arith.extui %eq3A_45 : vector<128x128xi1> to vector<128x128xi32>
    %convert_element_type3A_47 = arith.sitofp %convert_element_type3A_46 : vector<128x128xi32> to vector<128x128xf32>
    %dot_general3A_48 = arith.constant dense<0.000000e+00> : vector<128x128xf32>
    %dot_general3A_49 = tpu.matmul %convert_element_type3A_47, %convert_element_type3A_18, %dot_general3A_48 {dimension_numbers = #tpu.dot_dimension_numbers<[1], [0], [0], [1], [0, 0, 1, 1], [], []>, transpose_lhs_hint = false} : vector<128x128xf32>, vector<128x128xf32>, vector<128x128xf32> -> vector<128x128xf32>
    %dot_general3A_50 = arith.constant dense<0.000000e+00> : vector<128x128xf32>
    %dot_general3A_51 = tpu.matmul %convert_element_type3A_20, %convert_element_type3A_47, %dot_general3A_50 {dimension_numbers = #tpu.dot_dimension_numbers<[1], [0], [0], [1], [0, 0, 1, 1], [], []>, transpose_lhs_hint = false} : vector<128x128xf32>, vector<128x128xf32>, vector<128x128xf32> -> vector<128x128xf32>
    %dot_general3A_52 = arith.constant dense<0.000000e+00> : vector<128x128xf32>
    %dot_general3A_53 = tpu.matmul %dot_general3A_51, %broadcast_in_dim3A_21, %dot_general3A_52 {dimension_numbers = #tpu.dot_dimension_numbers<[1], [0], [0], [1], [0, 0, 1, 1], [], []>, transpose_lhs_hint = false} : vector<128x128xf32>, vector<128x128xf32>, vector<128x128xf32> -> vector<128x128xf32>
    %sub3A_54 = arith.subf %dot_general3A_49, %convert_element_type3A_47 : vector<128x128xf32>
    %add3A_55 = arith.addf %sub3A_54, %dot_general3A_53 : vector<128x128xf32>
    %mul3A_56 = arith.mulf %convert_element_type3A_47, %add3A_55 : vector<128x128xf32>
    %add3A_57 = arith.addf %add3A_37, %mul3A_56 : vector<128x128xf32>
    %reduce_sum3A_58 = vector.shape_cast %convert_element_type3A_47 : vector<128x128xf32> to vector<1x128x128xf32>
    %reduce_sum3A_59 = arith.constant dense<0.000000e+00> : vector<1xf32>
    %reduce_sum3A_60 = vector.multi_reduction <add>, %reduce_sum3A_58, %reduce_sum3A_59 [1, 2] : vector<1x128x128xf32> to vector<1xf32>
    %reduce_sum3A_61 = vector.shape_cast %reduce_sum3A_60 : vector<1xf32> to vector<1x1x1xf32>
    %reduce_sum3A_62 = vector.extract %reduce_sum3A_61[0, 0, 0] : f32 from vector<1x1x1xf32>
    %convert_element_type3A_63 = arith.fptosi %reduce_sum3A_62 : f32 to i32
    %eq3A_64 = arith.constant 2 : i32
    %eq3A_65 = vector.broadcast %eq3A_64 : i32 to vector<128x128xi32>
    %eq3A_66 = arith.cmpi eq, %add3A, %eq3A_65 : vector<128x128xi32>
    %convert_element_type3A_67 = arith.extui %eq3A_66 : vector<128x128xi1> to vector<128x128xi32>
    %convert_element_type3A_68 = arith.sitofp %convert_element_type3A_67 : vector<128x128xi32> to vector<128x128xf32>
    %dot_general3A_69 = arith.constant dense<0.000000e+00> : vector<128x128xf32>
    %dot_general3A_70 = tpu.matmul %convert_element_type3A_68, %convert_element_type3A_18, %dot_general3A_69 {dimension_numbers = #tpu.dot_dimension_numbers<[1], [0], [0], [1], [0, 0, 1, 1], [], []>, transpose_lhs_hint = false} : vector<128x128xf32>, vector<128x128xf32>, vector<128x128xf32> -> vector<128x128xf32>
    %dot_general3A_71 = arith.constant dense<0.000000e+00> : vector<128x128xf32>
    %dot_general3A_72 = tpu.matmul %convert_element_type3A_20, %convert_element_type3A_68, %dot_general3A_71 {dimension_numbers = #tpu.dot_dimension_numbers<[1], [0], [0], [1], [0, 0, 1, 1], [], []>, transpose_lhs_hint = false} : vector<128x128xf32>, vector<128x128xf32>, vector<128x128xf32> -> vector<128x128xf32>
    %dot_general3A_73 = arith.constant dense<0.000000e+00> : vector<128x128xf32>
    %dot_general3A_74 = tpu.matmul %dot_general3A_72, %broadcast_in_dim3A_21, %dot_general3A_73 {dimension_numbers = #tpu.dot_dimension_numbers<[1], [0], [0], [1], [0, 0, 1, 1], [], []>, transpose_lhs_hint = false} : vector<128x128xf32>, vector<128x128xf32>, vector<128x128xf32> -> vector<128x128xf32>
    %sub3A_75 = arith.subf %dot_general3A_70, %convert_element_type3A_68 : vector<128x128xf32>
    %add3A_76 = arith.addf %sub3A_75, %dot_general3A_74 : vector<128x128xf32>
    %mul3A_77 = arith.mulf %convert_element_type3A_68, %add3A_76 : vector<128x128xf32>
    %add3A_78 = arith.addf %add3A_57, %mul3A_77 : vector<128x128xf32>
    %reduce_sum3A_79 = vector.shape_cast %convert_element_type3A_68 : vector<128x128xf32> to vector<1x128x128xf32>
    %reduce_sum3A_80 = arith.constant dense<0.000000e+00> : vector<1xf32>
    %reduce_sum3A_81 = vector.multi_reduction <add>, %reduce_sum3A_79, %reduce_sum3A_80 [1, 2] : vector<1x128x128xf32> to vector<1xf32>
    %reduce_sum3A_82 = vector.shape_cast %reduce_sum3A_81 : vector<1xf32> to vector<1x1x1xf32>
    %reduce_sum3A_83 = vector.extract %reduce_sum3A_82[0, 0, 0] : f32 from vector<1x1x1xf32>
    %convert_element_type3A_84 = arith.fptosi %reduce_sum3A_83 : f32 to i32
    %eq3A_85 = arith.constant 3 : i32
    %eq3A_86 = vector.broadcast %eq3A_85 : i32 to vector<128x128xi32>
    %eq3A_87 = arith.cmpi eq, %add3A, %eq3A_86 : vector<128x128xi32>
    %convert_element_type3A_88 = arith.extui %eq3A_87 : vector<128x128xi1> to vector<128x128xi32>
    %convert_element_type3A_89 = arith.sitofp %convert_element_type3A_88 : vector<128x128xi32> to vector<128x128xf32>
    %dot_general3A_90 = arith.constant dense<0.000000e+00> : vector<128x128xf32>
    %dot_general3A_91 = tpu.matmul %convert_element_type3A_89, %convert_element_type3A_18, %dot_general3A_90 {dimension_numbers = #tpu.dot_dimension_numbers<[1], [0], [0], [1], [0, 0, 1, 1], [], []>, transpose_lhs_hint = false} : vector<128x128xf32>, vector<128x128xf32>, vector<128x128xf32> -> vector<128x128xf32>
    %dot_general3A_92 = arith.constant dense<0.000000e+00> : vector<128x128xf32>
    %dot_general3A_93 = tpu.matmul %convert_element_type3A_20, %convert_element_type3A_89, %dot_general3A_92 {dimension_numbers = #tpu.dot_dimension_numbers<[1], [0], [0], [1], [0, 0, 1, 1], [], []>, transpose_lhs_hint = false} : vector<128x128xf32>, vector<128x128xf32>, vector<128x128xf32> -> vector<128x128xf32>
    %dot_general3A_94 = arith.constant dense<0.000000e+00> : vector<128x128xf32>
    %dot_general3A_95 = tpu.matmul %dot_general3A_93, %broadcast_in_dim3A_21, %dot_general3A_94 {dimension_numbers = #tpu.dot_dimension_numbers<[1], [0], [0], [1], [0, 0, 1, 1], [], []>, transpose_lhs_hint = false} : vector<128x128xf32>, vector<128x128xf32>, vector<128x128xf32> -> vector<128x128xf32>
    %sub3A_96 = arith.subf %dot_general3A_91, %convert_element_type3A_89 : vector<128x128xf32>
    %add3A_97 = arith.addf %sub3A_96, %dot_general3A_95 : vector<128x128xf32>
    %mul3A_98 = arith.mulf %convert_element_type3A_89, %add3A_97 : vector<128x128xf32>
    %add3A_99 = arith.addf %add3A_78, %mul3A_98 : vector<128x128xf32>
    %reduce_sum3A_100 = vector.shape_cast %convert_element_type3A_89 : vector<128x128xf32> to vector<1x128x128xf32>
    %reduce_sum3A_101 = arith.constant dense<0.000000e+00> : vector<1xf32>
    %reduce_sum3A_102 = vector.multi_reduction <add>, %reduce_sum3A_100, %reduce_sum3A_101 [1, 2] : vector<1x128x128xf32> to vector<1xf32>
    %reduce_sum3A_103 = vector.shape_cast %reduce_sum3A_102 : vector<1xf32> to vector<1x1x1xf32>
    %reduce_sum3A_104 = vector.extract %reduce_sum3A_103[0, 0, 0] : f32 from vector<1x1x1xf32>
    %convert_element_type3A_105 = arith.fptosi %reduce_sum3A_104 : f32 to i32
    %eq3A_106 = arith.constant 4 : i32
    %eq3A_107 = vector.broadcast %eq3A_106 : i32 to vector<128x128xi32>
    %eq3A_108 = arith.cmpi eq, %add3A, %eq3A_107 : vector<128x128xi32>
    %convert_element_type3A_109 = arith.extui %eq3A_108 : vector<128x128xi1> to vector<128x128xi32>
    %convert_element_type3A_110 = arith.sitofp %convert_element_type3A_109 : vector<128x128xi32> to vector<128x128xf32>
    %dot_general3A_111 = arith.constant dense<0.000000e+00> : vector<128x128xf32>
    %dot_general3A_112 = tpu.matmul %convert_element_type3A_110, %convert_element_type3A_18, %dot_general3A_111 {dimension_numbers = #tpu.dot_dimension_numbers<[1], [0], [0], [1], [0, 0, 1, 1], [], []>, transpose_lhs_hint = false} : vector<128x128xf32>, vector<128x128xf32>, vector<128x128xf32> -> vector<128x128xf32>
    %dot_general3A_113 = arith.constant dense<0.000000e+00> : vector<128x128xf32>
    %dot_general3A_114 = tpu.matmul %convert_element_type3A_20, %convert_element_type3A_110, %dot_general3A_113 {dimension_numbers = #tpu.dot_dimension_numbers<[1], [0], [0], [1], [0, 0, 1, 1], [], []>, transpose_lhs_hint = false} : vector<128x128xf32>, vector<128x128xf32>, vector<128x128xf32> -> vector<128x128xf32>
    %dot_general3A_115 = arith.constant dense<0.000000e+00> : vector<128x128xf32>
    %dot_general3A_116 = tpu.matmul %dot_general3A_114, %broadcast_in_dim3A_21, %dot_general3A_115 {dimension_numbers = #tpu.dot_dimension_numbers<[1], [0], [0], [1], [0, 0, 1, 1], [], []>, transpose_lhs_hint = false} : vector<128x128xf32>, vector<128x128xf32>, vector<128x128xf32> -> vector<128x128xf32>
    %sub3A_117 = arith.subf %dot_general3A_112, %convert_element_type3A_110 : vector<128x128xf32>
    %add3A_118 = arith.addf %sub3A_117, %dot_general3A_116 : vector<128x128xf32>
    %mul3A_119 = arith.mulf %convert_element_type3A_110, %add3A_118 : vector<128x128xf32>
    %add3A_120 = arith.addf %add3A_99, %mul3A_119 : vector<128x128xf32>
    %reduce_sum3A_121 = vector.shape_cast %convert_element_type3A_110 : vector<128x128xf32> to vector<1x128x128xf32>
    %reduce_sum3A_122 = arith.constant dense<0.000000e+00> : vector<1xf32>
    %reduce_sum3A_123 = vector.multi_reduction <add>, %reduce_sum3A_121, %reduce_sum3A_122 [1, 2] : vector<1x128x128xf32> to vector<1xf32>
    %reduce_sum3A_124 = vector.shape_cast %reduce_sum3A_123 : vector<1xf32> to vector<1x1x1xf32>
    %reduce_sum3A_125 = vector.extract %reduce_sum3A_124[0, 0, 0] : f32 from vector<1x1x1xf32>
    %convert_element_type3A_126 = arith.fptosi %reduce_sum3A_125 : f32 to i32
    %eq3A_127 = arith.constant 5 : i32
    %eq3A_128 = vector.broadcast %eq3A_127 : i32 to vector<128x128xi32>
    %eq3A_129 = arith.cmpi eq, %add3A, %eq3A_128 : vector<128x128xi32>
    %convert_element_type3A_130 = arith.extui %eq3A_129 : vector<128x128xi1> to vector<128x128xi32>
    %convert_element_type3A_131 = arith.sitofp %convert_element_type3A_130 : vector<128x128xi32> to vector<128x128xf32>
    %dot_general3A_132 = arith.constant dense<0.000000e+00> : vector<128x128xf32>
    %dot_general3A_133 = tpu.matmul %convert_element_type3A_131, %convert_element_type3A_18, %dot_general3A_132 {dimension_numbers = #tpu.dot_dimension_numbers<[1], [0], [0], [1], [0, 0, 1, 1], [], []>, transpose_lhs_hint = false} : vector<128x128xf32>, vector<128x128xf32>, vector<128x128xf32> -> vector<128x128xf32>
    %dot_general3A_134 = arith.constant dense<0.000000e+00> : vector<128x128xf32>
    %dot_general3A_135 = tpu.matmul %convert_element_type3A_20, %convert_element_type3A_131, %dot_general3A_134 {dimension_numbers = #tpu.dot_dimension_numbers<[1], [0], [0], [1], [0, 0, 1, 1], [], []>, transpose_lhs_hint = false} : vector<128x128xf32>, vector<128x128xf32>, vector<128x128xf32> -> vector<128x128xf32>
    %dot_general3A_136 = arith.constant dense<0.000000e+00> : vector<128x128xf32>
    %dot_general3A_137 = tpu.matmul %dot_general3A_135, %broadcast_in_dim3A_21, %dot_general3A_136 {dimension_numbers = #tpu.dot_dimension_numbers<[1], [0], [0], [1], [0, 0, 1, 1], [], []>, transpose_lhs_hint = false} : vector<128x128xf32>, vector<128x128xf32>, vector<128x128xf32> -> vector<128x128xf32>
    %sub3A_138 = arith.subf %dot_general3A_133, %convert_element_type3A_131 : vector<128x128xf32>
    %add3A_139 = arith.addf %sub3A_138, %dot_general3A_137 : vector<128x128xf32>
    %mul3A_140 = arith.mulf %convert_element_type3A_131, %add3A_139 : vector<128x128xf32>
    %add3A_141 = arith.addf %add3A_120, %mul3A_140 : vector<128x128xf32>
    %reduce_sum3A_142 = vector.shape_cast %convert_element_type3A_131 : vector<128x128xf32> to vector<1x128x128xf32>
    %reduce_sum3A_143 = arith.constant dense<0.000000e+00> : vector<1xf32>
    %reduce_sum3A_144 = vector.multi_reduction <add>, %reduce_sum3A_142, %reduce_sum3A_143 [1, 2] : vector<1x128x128xf32> to vector<1xf32>
    %reduce_sum3A_145 = vector.shape_cast %reduce_sum3A_144 : vector<1xf32> to vector<1x1x1xf32>
    %reduce_sum3A_146 = vector.extract %reduce_sum3A_145[0, 0, 0] : f32 from vector<1x1x1xf32>
    %convert_element_type3A_147 = arith.fptosi %reduce_sum3A_146 : f32 to i32
    %eq3A_148 = arith.constant 6 : i32
    %eq3A_149 = vector.broadcast %eq3A_148 : i32 to vector<128x128xi32>
    %eq3A_150 = arith.cmpi eq, %add3A, %eq3A_149 : vector<128x128xi32>
    %convert_element_type3A_151 = arith.extui %eq3A_150 : vector<128x128xi1> to vector<128x128xi32>
    %convert_element_type3A_152 = arith.sitofp %convert_element_type3A_151 : vector<128x128xi32> to vector<128x128xf32>
    %dot_general3A_153 = arith.constant dense<0.000000e+00> : vector<128x128xf32>
    %dot_general3A_154 = tpu.matmul %convert_element_type3A_152, %convert_element_type3A_18, %dot_general3A_153 {dimension_numbers = #tpu.dot_dimension_numbers<[1], [0], [0], [1], [0, 0, 1, 1], [], []>, transpose_lhs_hint = false} : vector<128x128xf32>, vector<128x128xf32>, vector<128x128xf32> -> vector<128x128xf32>
    %dot_general3A_155 = arith.constant dense<0.000000e+00> : vector<128x128xf32>
    %dot_general3A_156 = tpu.matmul %convert_element_type3A_20, %convert_element_type3A_152, %dot_general3A_155 {dimension_numbers = #tpu.dot_dimension_numbers<[1], [0], [0], [1], [0, 0, 1, 1], [], []>, transpose_lhs_hint = false} : vector<128x128xf32>, vector<128x128xf32>, vector<128x128xf32> -> vector<128x128xf32>
    %dot_general3A_157 = arith.constant dense<0.000000e+00> : vector<128x128xf32>
    %dot_general3A_158 = tpu.matmul %dot_general3A_156, %broadcast_in_dim3A_21, %dot_general3A_157 {dimension_numbers = #tpu.dot_dimension_numbers<[1], [0], [0], [1], [0, 0, 1, 1], [], []>, transpose_lhs_hint = false} : vector<128x128xf32>, vector<128x128xf32>, vector<128x128xf32> -> vector<128x128xf32>
    %sub3A_159 = arith.subf %dot_general3A_154, %convert_element_type3A_152 : vector<128x128xf32>
    %add3A_160 = arith.addf %sub3A_159, %dot_general3A_158 : vector<128x128xf32>
    %mul3A_161 = arith.mulf %convert_element_type3A_152, %add3A_160 : vector<128x128xf32>
    %add3A_162 = arith.addf %add3A_141, %mul3A_161 : vector<128x128xf32>
    %reduce_sum3A_163 = vector.shape_cast %convert_element_type3A_152 : vector<128x128xf32> to vector<1x128x128xf32>
    %reduce_sum3A_164 = arith.constant dense<0.000000e+00> : vector<1xf32>
    %reduce_sum3A_165 = vector.multi_reduction <add>, %reduce_sum3A_163, %reduce_sum3A_164 [1, 2] : vector<1x128x128xf32> to vector<1xf32>
    %reduce_sum3A_166 = vector.shape_cast %reduce_sum3A_165 : vector<1xf32> to vector<1x1x1xf32>
    %reduce_sum3A_167 = vector.extract %reduce_sum3A_166[0, 0, 0] : f32 from vector<1x1x1xf32>
    %convert_element_type3A_168 = arith.fptosi %reduce_sum3A_167 : f32 to i32
    %eq3A_169 = arith.constant 7 : i32
    %eq3A_170 = vector.broadcast %eq3A_169 : i32 to vector<128x128xi32>
    %eq3A_171 = arith.cmpi eq, %add3A, %eq3A_170 : vector<128x128xi32>
    %convert_element_type3A_172 = arith.extui %eq3A_171 : vector<128x128xi1> to vector<128x128xi32>
    %convert_element_type3A_173 = arith.sitofp %convert_element_type3A_172 : vector<128x128xi32> to vector<128x128xf32>
    %dot_general3A_174 = arith.constant dense<0.000000e+00> : vector<128x128xf32>
    %dot_general3A_175 = tpu.matmul %convert_element_type3A_173, %convert_element_type3A_18, %dot_general3A_174 {dimension_numbers = #tpu.dot_dimension_numbers<[1], [0], [0], [1], [0, 0, 1, 1], [], []>, transpose_lhs_hint = false} : vector<128x128xf32>, vector<128x128xf32>, vector<128x128xf32> -> vector<128x128xf32>
    %dot_general3A_176 = arith.constant dense<0.000000e+00> : vector<128x128xf32>
    %dot_general3A_177 = tpu.matmul %convert_element_type3A_20, %convert_element_type3A_173, %dot_general3A_176 {dimension_numbers = #tpu.dot_dimension_numbers<[1], [0], [0], [1], [0, 0, 1, 1], [], []>, transpose_lhs_hint = false} : vector<128x128xf32>, vector<128x128xf32>, vector<128x128xf32> -> vector<128x128xf32>
    %dot_general3A_178 = arith.constant dense<0.000000e+00> : vector<128x128xf32>
    %dot_general3A_179 = tpu.matmul %dot_general3A_177, %broadcast_in_dim3A_21, %dot_general3A_178 {dimension_numbers = #tpu.dot_dimension_numbers<[1], [0], [0], [1], [0, 0, 1, 1], [], []>, transpose_lhs_hint = false} : vector<128x128xf32>, vector<128x128xf32>, vector<128x128xf32> -> vector<128x128xf32>
    %sub3A_180 = arith.subf %dot_general3A_175, %convert_element_type3A_173 : vector<128x128xf32>
    %add3A_181 = arith.addf %sub3A_180, %dot_general3A_179 : vector<128x128xf32>
    %mul3A_182 = arith.mulf %convert_element_type3A_173, %add3A_181 : vector<128x128xf32>
    %add3A_183 = arith.addf %add3A_162, %mul3A_182 : vector<128x128xf32>
    %reduce_sum3A_184 = vector.shape_cast %convert_element_type3A_173 : vector<128x128xf32> to vector<1x128x128xf32>
    %reduce_sum3A_185 = arith.constant dense<0.000000e+00> : vector<1xf32>
    %reduce_sum3A_186 = vector.multi_reduction <add>, %reduce_sum3A_184, %reduce_sum3A_185 [1, 2] : vector<1x128x128xf32> to vector<1xf32>
    %reduce_sum3A_187 = vector.shape_cast %reduce_sum3A_186 : vector<1xf32> to vector<1x1x1xf32>
    %reduce_sum3A_188 = vector.extract %reduce_sum3A_187[0, 0, 0] : f32 from vector<1x1x1xf32>
    %convert_element_type3A_189 = arith.fptosi %reduce_sum3A_188 : f32 to i32
    %eq3A_190 = arith.constant 8 : i32
    %eq3A_191 = vector.broadcast %eq3A_190 : i32 to vector<128x128xi32>
    %eq3A_192 = arith.cmpi eq, %add3A, %eq3A_191 : vector<128x128xi32>
    %convert_element_type3A_193 = arith.extui %eq3A_192 : vector<128x128xi1> to vector<128x128xi32>
    %convert_element_type3A_194 = arith.sitofp %convert_element_type3A_193 : vector<128x128xi32> to vector<128x128xf32>
    %dot_general3A_195 = arith.constant dense<0.000000e+00> : vector<128x128xf32>
    %dot_general3A_196 = tpu.matmul %convert_element_type3A_194, %convert_element_type3A_18, %dot_general3A_195 {dimension_numbers = #tpu.dot_dimension_numbers<[1], [0], [0], [1], [0, 0, 1, 1], [], []>, transpose_lhs_hint = false} : vector<128x128xf32>, vector<128x128xf32>, vector<128x128xf32> -> vector<128x128xf32>
    %dot_general3A_197 = arith.constant dense<0.000000e+00> : vector<128x128xf32>
    %dot_general3A_198 = tpu.matmul %convert_element_type3A_20, %convert_element_type3A_194, %dot_general3A_197 {dimension_numbers = #tpu.dot_dimension_numbers<[1], [0], [0], [1], [0, 0, 1, 1], [], []>, transpose_lhs_hint = false} : vector<128x128xf32>, vector<128x128xf32>, vector<128x128xf32> -> vector<128x128xf32>
    %dot_general3A_199 = arith.constant dense<0.000000e+00> : vector<128x128xf32>
    %dot_general3A_200 = tpu.matmul %dot_general3A_198, %broadcast_in_dim3A_21, %dot_general3A_199 {dimension_numbers = #tpu.dot_dimension_numbers<[1], [0], [0], [1], [0, 0, 1, 1], [], []>, transpose_lhs_hint = false} : vector<128x128xf32>, vector<128x128xf32>, vector<128x128xf32> -> vector<128x128xf32>
    %sub3A_201 = arith.subf %dot_general3A_196, %convert_element_type3A_194 : vector<128x128xf32>
    %add3A_202 = arith.addf %sub3A_201, %dot_general3A_200 : vector<128x128xf32>
    %mul3A_203 = arith.mulf %convert_element_type3A_194, %add3A_202 : vector<128x128xf32>
    %add3A_204 = arith.addf %add3A_183, %mul3A_203 : vector<128x128xf32>
    %reduce_sum3A_205 = vector.shape_cast %convert_element_type3A_194 : vector<128x128xf32> to vector<1x128x128xf32>
    %reduce_sum3A_206 = arith.constant dense<0.000000e+00> : vector<1xf32>
    %reduce_sum3A_207 = vector.multi_reduction <add>, %reduce_sum3A_205, %reduce_sum3A_206 [1, 2] : vector<1x128x128xf32> to vector<1xf32>
    %reduce_sum3A_208 = vector.shape_cast %reduce_sum3A_207 : vector<1xf32> to vector<1x1x1xf32>
    %reduce_sum3A_209 = vector.extract %reduce_sum3A_208[0, 0, 0] : f32 from vector<1x1x1xf32>
    %convert_element_type3A_210 = arith.fptosi %reduce_sum3A_209 : f32 to i32
    %eq3A_211 = arith.constant 9 : i32
    %eq3A_212 = vector.broadcast %eq3A_211 : i32 to vector<128x128xi32>
    %eq3A_213 = arith.cmpi eq, %add3A, %eq3A_212 : vector<128x128xi32>
    %convert_element_type3A_214 = arith.extui %eq3A_213 : vector<128x128xi1> to vector<128x128xi32>
    %convert_element_type3A_215 = arith.sitofp %convert_element_type3A_214 : vector<128x128xi32> to vector<128x128xf32>
    %dot_general3A_216 = arith.constant dense<0.000000e+00> : vector<128x128xf32>
    %dot_general3A_217 = tpu.matmul %convert_element_type3A_215, %convert_element_type3A_18, %dot_general3A_216 {dimension_numbers = #tpu.dot_dimension_numbers<[1], [0], [0], [1], [0, 0, 1, 1], [], []>, transpose_lhs_hint = false} : vector<128x128xf32>, vector<128x128xf32>, vector<128x128xf32> -> vector<128x128xf32>
    %dot_general3A_218 = arith.constant dense<0.000000e+00> : vector<128x128xf32>
    %dot_general3A_219 = tpu.matmul %convert_element_type3A_20, %convert_element_type3A_215, %dot_general3A_218 {dimension_numbers = #tpu.dot_dimension_numbers<[1], [0], [0], [1], [0, 0, 1, 1], [], []>, transpose_lhs_hint = false} : vector<128x128xf32>, vector<128x128xf32>, vector<128x128xf32> -> vector<128x128xf32>
    %dot_general3A_220 = arith.constant dense<0.000000e+00> : vector<128x128xf32>
    %dot_general3A_221 = tpu.matmul %dot_general3A_219, %broadcast_in_dim3A_21, %dot_general3A_220 {dimension_numbers = #tpu.dot_dimension_numbers<[1], [0], [0], [1], [0, 0, 1, 1], [], []>, transpose_lhs_hint = false} : vector<128x128xf32>, vector<128x128xf32>, vector<128x128xf32> -> vector<128x128xf32>
    %sub3A_222 = arith.subf %dot_general3A_217, %convert_element_type3A_215 : vector<128x128xf32>
    %add3A_223 = arith.addf %sub3A_222, %dot_general3A_221 : vector<128x128xf32>
    %mul3A_224 = arith.mulf %convert_element_type3A_215, %add3A_223 : vector<128x128xf32>
    %add3A_225 = arith.addf %add3A_204, %mul3A_224 : vector<128x128xf32>
    %reduce_sum3A_226 = vector.shape_cast %convert_element_type3A_215 : vector<128x128xf32> to vector<1x128x128xf32>
    %reduce_sum3A_227 = arith.constant dense<0.000000e+00> : vector<1xf32>
    %reduce_sum3A_228 = vector.multi_reduction <add>, %reduce_sum3A_226, %reduce_sum3A_227 [1, 2] : vector<1x128x128xf32> to vector<1xf32>
    %reduce_sum3A_229 = vector.shape_cast %reduce_sum3A_228 : vector<1xf32> to vector<1x1x1xf32>
    %reduce_sum3A_230 = vector.extract %reduce_sum3A_229[0, 0, 0] : f32 from vector<1x1x1xf32>
    %convert_element_type3A_231 = arith.fptosi %reduce_sum3A_230 : f32 to i32
    %eq3A_232 = arith.constant 10 : i32
    %eq3A_233 = vector.broadcast %eq3A_232 : i32 to vector<128x128xi32>
    %eq3A_234 = arith.cmpi eq, %add3A, %eq3A_233 : vector<128x128xi32>
    %convert_element_type3A_235 = arith.extui %eq3A_234 : vector<128x128xi1> to vector<128x128xi32>
    %convert_element_type3A_236 = arith.sitofp %convert_element_type3A_235 : vector<128x128xi32> to vector<128x128xf32>
    %dot_general3A_237 = arith.constant dense<0.000000e+00> : vector<128x128xf32>
    %dot_general3A_238 = tpu.matmul %convert_element_type3A_236, %convert_element_type3A_18, %dot_general3A_237 {dimension_numbers = #tpu.dot_dimension_numbers<[1], [0], [0], [1], [0, 0, 1, 1], [], []>, transpose_lhs_hint = false} : vector<128x128xf32>, vector<128x128xf32>, vector<128x128xf32> -> vector<128x128xf32>
    %dot_general3A_239 = arith.constant dense<0.000000e+00> : vector<128x128xf32>
    %dot_general3A_240 = tpu.matmul %convert_element_type3A_20, %convert_element_type3A_236, %dot_general3A_239 {dimension_numbers = #tpu.dot_dimension_numbers<[1], [0], [0], [1], [0, 0, 1, 1], [], []>, transpose_lhs_hint = false} : vector<128x128xf32>, vector<128x128xf32>, vector<128x128xf32> -> vector<128x128xf32>
    %dot_general3A_241 = arith.constant dense<0.000000e+00> : vector<128x128xf32>
    %dot_general3A_242 = tpu.matmul %dot_general3A_240, %broadcast_in_dim3A_21, %dot_general3A_241 {dimension_numbers = #tpu.dot_dimension_numbers<[1], [0], [0], [1], [0, 0, 1, 1], [], []>, transpose_lhs_hint = false} : vector<128x128xf32>, vector<128x128xf32>, vector<128x128xf32> -> vector<128x128xf32>
    %sub3A_243 = arith.subf %dot_general3A_238, %convert_element_type3A_236 : vector<128x128xf32>
    %add3A_244 = arith.addf %sub3A_243, %dot_general3A_242 : vector<128x128xf32>
    %mul3A_245 = arith.mulf %convert_element_type3A_236, %add3A_244 : vector<128x128xf32>
    %add3A_246 = arith.addf %add3A_225, %mul3A_245 : vector<128x128xf32>
    %reduce_sum3A_247 = vector.shape_cast %convert_element_type3A_236 : vector<128x128xf32> to vector<1x128x128xf32>
    %reduce_sum3A_248 = arith.constant dense<0.000000e+00> : vector<1xf32>
    %reduce_sum3A_249 = vector.multi_reduction <add>, %reduce_sum3A_247, %reduce_sum3A_248 [1, 2] : vector<1x128x128xf32> to vector<1xf32>
    %reduce_sum3A_250 = vector.shape_cast %reduce_sum3A_249 : vector<1xf32> to vector<1x1x1xf32>
    %reduce_sum3A_251 = vector.extract %reduce_sum3A_250[0, 0, 0] : f32 from vector<1x1x1xf32>
    %convert_element_type3A_252 = arith.fptosi %reduce_sum3A_251 : f32 to i32
    %eq3A_253 = arith.constant 11 : i32
    %eq3A_254 = vector.broadcast %eq3A_253 : i32 to vector<128x128xi32>
    %eq3A_255 = arith.cmpi eq, %add3A, %eq3A_254 : vector<128x128xi32>
    %convert_element_type3A_256 = arith.extui %eq3A_255 : vector<128x128xi1> to vector<128x128xi32>
    %convert_element_type3A_257 = arith.sitofp %convert_element_type3A_256 : vector<128x128xi32> to vector<128x128xf32>
    %dot_general3A_258 = arith.constant dense<0.000000e+00> : vector<128x128xf32>
    %dot_general3A_259 = tpu.matmul %convert_element_type3A_257, %convert_element_type3A_18, %dot_general3A_258 {dimension_numbers = #tpu.dot_dimension_numbers<[1], [0], [0], [1], [0, 0, 1, 1], [], []>, transpose_lhs_hint = false} : vector<128x128xf32>, vector<128x128xf32>, vector<128x128xf32> -> vector<128x128xf32>
    %dot_general3A_260 = arith.constant dense<0.000000e+00> : vector<128x128xf32>
    %dot_general3A_261 = tpu.matmul %convert_element_type3A_20, %convert_element_type3A_257, %dot_general3A_260 {dimension_numbers = #tpu.dot_dimension_numbers<[1], [0], [0], [1], [0, 0, 1, 1], [], []>, transpose_lhs_hint = false} : vector<128x128xf32>, vector<128x128xf32>, vector<128x128xf32> -> vector<128x128xf32>
    %dot_general3A_262 = arith.constant dense<0.000000e+00> : vector<128x128xf32>
    %dot_general3A_263 = tpu.matmul %dot_general3A_261, %broadcast_in_dim3A_21, %dot_general3A_262 {dimension_numbers = #tpu.dot_dimension_numbers<[1], [0], [0], [1], [0, 0, 1, 1], [], []>, transpose_lhs_hint = false} : vector<128x128xf32>, vector<128x128xf32>, vector<128x128xf32> -> vector<128x128xf32>
    %sub3A_264 = arith.subf %dot_general3A_259, %convert_element_type3A_257 : vector<128x128xf32>
    %add3A_265 = arith.addf %sub3A_264, %dot_general3A_263 : vector<128x128xf32>
    %mul3A_266 = arith.mulf %convert_element_type3A_257, %add3A_265 : vector<128x128xf32>
    %add3A_267 = arith.addf %add3A_246, %mul3A_266 : vector<128x128xf32>
    %reduce_sum3A_268 = vector.shape_cast %convert_element_type3A_257 : vector<128x128xf32> to vector<1x128x128xf32>
    %reduce_sum3A_269 = arith.constant dense<0.000000e+00> : vector<1xf32>
    %reduce_sum3A_270 = vector.multi_reduction <add>, %reduce_sum3A_268, %reduce_sum3A_269 [1, 2] : vector<1x128x128xf32> to vector<1xf32>
    %reduce_sum3A_271 = vector.shape_cast %reduce_sum3A_270 : vector<1xf32> to vector<1x1x1xf32>
    %reduce_sum3A_272 = vector.extract %reduce_sum3A_271[0, 0, 0] : f32 from vector<1x1x1xf32>
    %convert_element_type3A_273 = arith.fptosi %reduce_sum3A_272 : f32 to i32
    %eq3A_274 = arith.constant 12 : i32
    %eq3A_275 = vector.broadcast %eq3A_274 : i32 to vector<128x128xi32>
    %eq3A_276 = arith.cmpi eq, %add3A, %eq3A_275 : vector<128x128xi32>
    %convert_element_type3A_277 = arith.extui %eq3A_276 : vector<128x128xi1> to vector<128x128xi32>
    %convert_element_type3A_278 = arith.sitofp %convert_element_type3A_277 : vector<128x128xi32> to vector<128x128xf32>
    %dot_general3A_279 = arith.constant dense<0.000000e+00> : vector<128x128xf32>
    %dot_general3A_280 = tpu.matmul %convert_element_type3A_278, %convert_element_type3A_18, %dot_general3A_279 {dimension_numbers = #tpu.dot_dimension_numbers<[1], [0], [0], [1], [0, 0, 1, 1], [], []>, transpose_lhs_hint = false} : vector<128x128xf32>, vector<128x128xf32>, vector<128x128xf32> -> vector<128x128xf32>
    %dot_general3A_281 = arith.constant dense<0.000000e+00> : vector<128x128xf32>
    %dot_general3A_282 = tpu.matmul %convert_element_type3A_20, %convert_element_type3A_278, %dot_general3A_281 {dimension_numbers = #tpu.dot_dimension_numbers<[1], [0], [0], [1], [0, 0, 1, 1], [], []>, transpose_lhs_hint = false} : vector<128x128xf32>, vector<128x128xf32>, vector<128x128xf32> -> vector<128x128xf32>
    %dot_general3A_283 = arith.constant dense<0.000000e+00> : vector<128x128xf32>
    %dot_general3A_284 = tpu.matmul %dot_general3A_282, %broadcast_in_dim3A_21, %dot_general3A_283 {dimension_numbers = #tpu.dot_dimension_numbers<[1], [0], [0], [1], [0, 0, 1, 1], [], []>, transpose_lhs_hint = false} : vector<128x128xf32>, vector<128x128xf32>, vector<128x128xf32> -> vector<128x128xf32>
    %sub3A_285 = arith.subf %dot_general3A_280, %convert_element_type3A_278 : vector<128x128xf32>
    %add3A_286 = arith.addf %sub3A_285, %dot_general3A_284 : vector<128x128xf32>
    %mul3A_287 = arith.mulf %convert_element_type3A_278, %add3A_286 : vector<128x128xf32>
    %add3A_288 = arith.addf %add3A_267, %mul3A_287 : vector<128x128xf32>
    %reduce_sum3A_289 = vector.shape_cast %convert_element_type3A_278 : vector<128x128xf32> to vector<1x128x128xf32>
    %reduce_sum3A_290 = arith.constant dense<0.000000e+00> : vector<1xf32>
    %reduce_sum3A_291 = vector.multi_reduction <add>, %reduce_sum3A_289, %reduce_sum3A_290 [1, 2] : vector<1x128x128xf32> to vector<1xf32>
    %reduce_sum3A_292 = vector.shape_cast %reduce_sum3A_291 : vector<1xf32> to vector<1x1x1xf32>
    %reduce_sum3A_293 = vector.extract %reduce_sum3A_292[0, 0, 0] : f32 from vector<1x1x1xf32>
    %convert_element_type3A_294 = arith.fptosi %reduce_sum3A_293 : f32 to i32
    %eq3A_295 = arith.constant 13 : i32
    %eq3A_296 = vector.broadcast %eq3A_295 : i32 to vector<128x128xi32>
    %eq3A_297 = arith.cmpi eq, %add3A, %eq3A_296 : vector<128x128xi32>
    %convert_element_type3A_298 = arith.extui %eq3A_297 : vector<128x128xi1> to vector<128x128xi32>
    %convert_element_type3A_299 = arith.sitofp %convert_element_type3A_298 : vector<128x128xi32> to vector<128x128xf32>
    %dot_general3A_300 = arith.constant dense<0.000000e+00> : vector<128x128xf32>
    %dot_general3A_301 = tpu.matmul %convert_element_type3A_299, %convert_element_type3A_18, %dot_general3A_300 {dimension_numbers = #tpu.dot_dimension_numbers<[1], [0], [0], [1], [0, 0, 1, 1], [], []>, transpose_lhs_hint = false} : vector<128x128xf32>, vector<128x128xf32>, vector<128x128xf32> -> vector<128x128xf32>
    %dot_general3A_302 = arith.constant dense<0.000000e+00> : vector<128x128xf32>
    %dot_general3A_303 = tpu.matmul %convert_element_type3A_20, %convert_element_type3A_299, %dot_general3A_302 {dimension_numbers = #tpu.dot_dimension_numbers<[1], [0], [0], [1], [0, 0, 1, 1], [], []>, transpose_lhs_hint = false} : vector<128x128xf32>, vector<128x128xf32>, vector<128x128xf32> -> vector<128x128xf32>
    %dot_general3A_304 = arith.constant dense<0.000000e+00> : vector<128x128xf32>
    %dot_general3A_305 = tpu.matmul %dot_general3A_303, %broadcast_in_dim3A_21, %dot_general3A_304 {dimension_numbers = #tpu.dot_dimension_numbers<[1], [0], [0], [1], [0, 0, 1, 1], [], []>, transpose_lhs_hint = false} : vector<128x128xf32>, vector<128x128xf32>, vector<128x128xf32> -> vector<128x128xf32>
    %sub3A_306 = arith.subf %dot_general3A_301, %convert_element_type3A_299 : vector<128x128xf32>
    %add3A_307 = arith.addf %sub3A_306, %dot_general3A_305 : vector<128x128xf32>
    %mul3A_308 = arith.mulf %convert_element_type3A_299, %add3A_307 : vector<128x128xf32>
    %add3A_309 = arith.addf %add3A_288, %mul3A_308 : vector<128x128xf32>
    %reduce_sum3A_310 = vector.shape_cast %convert_element_type3A_299 : vector<128x128xf32> to vector<1x128x128xf32>
    %reduce_sum3A_311 = arith.constant dense<0.000000e+00> : vector<1xf32>
    %reduce_sum3A_312 = vector.multi_reduction <add>, %reduce_sum3A_310, %reduce_sum3A_311 [1, 2] : vector<1x128x128xf32> to vector<1xf32>
    %reduce_sum3A_313 = vector.shape_cast %reduce_sum3A_312 : vector<1xf32> to vector<1x1x1xf32>
    %reduce_sum3A_314 = vector.extract %reduce_sum3A_313[0, 0, 0] : f32 from vector<1x1x1xf32>
    %convert_element_type3A_315 = arith.fptosi %reduce_sum3A_314 : f32 to i32
    %eq3A_316 = arith.constant 14 : i32
    %eq3A_317 = vector.broadcast %eq3A_316 : i32 to vector<128x128xi32>
    %eq3A_318 = arith.cmpi eq, %add3A, %eq3A_317 : vector<128x128xi32>
    %convert_element_type3A_319 = arith.extui %eq3A_318 : vector<128x128xi1> to vector<128x128xi32>
    %convert_element_type3A_320 = arith.sitofp %convert_element_type3A_319 : vector<128x128xi32> to vector<128x128xf32>
    %dot_general3A_321 = arith.constant dense<0.000000e+00> : vector<128x128xf32>
    %dot_general3A_322 = tpu.matmul %convert_element_type3A_320, %convert_element_type3A_18, %dot_general3A_321 {dimension_numbers = #tpu.dot_dimension_numbers<[1], [0], [0], [1], [0, 0, 1, 1], [], []>, transpose_lhs_hint = false} : vector<128x128xf32>, vector<128x128xf32>, vector<128x128xf32> -> vector<128x128xf32>
    %dot_general3A_323 = arith.constant dense<0.000000e+00> : vector<128x128xf32>
    %dot_general3A_324 = tpu.matmul %convert_element_type3A_20, %convert_element_type3A_320, %dot_general3A_323 {dimension_numbers = #tpu.dot_dimension_numbers<[1], [0], [0], [1], [0, 0, 1, 1], [], []>, transpose_lhs_hint = false} : vector<128x128xf32>, vector<128x128xf32>, vector<128x128xf32> -> vector<128x128xf32>
    %dot_general3A_325 = arith.constant dense<0.000000e+00> : vector<128x128xf32>
    %dot_general3A_326 = tpu.matmul %dot_general3A_324, %broadcast_in_dim3A_21, %dot_general3A_325 {dimension_numbers = #tpu.dot_dimension_numbers<[1], [0], [0], [1], [0, 0, 1, 1], [], []>, transpose_lhs_hint = false} : vector<128x128xf32>, vector<128x128xf32>, vector<128x128xf32> -> vector<128x128xf32>
    %sub3A_327 = arith.subf %dot_general3A_322, %convert_element_type3A_320 : vector<128x128xf32>
    %add3A_328 = arith.addf %sub3A_327, %dot_general3A_326 : vector<128x128xf32>
    %mul3A_329 = arith.mulf %convert_element_type3A_320, %add3A_328 : vector<128x128xf32>
    %add3A_330 = arith.addf %add3A_309, %mul3A_329 : vector<128x128xf32>
    %reduce_sum3A_331 = vector.shape_cast %convert_element_type3A_320 : vector<128x128xf32> to vector<1x128x128xf32>
    %reduce_sum3A_332 = arith.constant dense<0.000000e+00> : vector<1xf32>
    %reduce_sum3A_333 = vector.multi_reduction <add>, %reduce_sum3A_331, %reduce_sum3A_332 [1, 2] : vector<1x128x128xf32> to vector<1xf32>
    %reduce_sum3A_334 = vector.shape_cast %reduce_sum3A_333 : vector<1xf32> to vector<1x1x1xf32>
    %reduce_sum3A_335 = vector.extract %reduce_sum3A_334[0, 0, 0] : f32 from vector<1x1x1xf32>
    %convert_element_type3A_336 = arith.fptosi %reduce_sum3A_335 : f32 to i32
    %eq3A_337 = arith.constant 15 : i32
    %eq3A_338 = vector.broadcast %eq3A_337 : i32 to vector<128x128xi32>
    %eq3A_339 = arith.cmpi eq, %add3A, %eq3A_338 : vector<128x128xi32>
    %convert_element_type3A_340 = arith.extui %eq3A_339 : vector<128x128xi1> to vector<128x128xi32>
    %convert_element_type3A_341 = arith.sitofp %convert_element_type3A_340 : vector<128x128xi32> to vector<128x128xf32>
    %dot_general3A_342 = arith.constant dense<0.000000e+00> : vector<128x128xf32>
    %dot_general3A_343 = tpu.matmul %convert_element_type3A_341, %convert_element_type3A_18, %dot_general3A_342 {dimension_numbers = #tpu.dot_dimension_numbers<[1], [0], [0], [1], [0, 0, 1, 1], [], []>, transpose_lhs_hint = false} : vector<128x128xf32>, vector<128x128xf32>, vector<128x128xf32> -> vector<128x128xf32>
    %dot_general3A_344 = arith.constant dense<0.000000e+00> : vector<128x128xf32>
    %dot_general3A_345 = tpu.matmul %convert_element_type3A_20, %convert_element_type3A_341, %dot_general3A_344 {dimension_numbers = #tpu.dot_dimension_numbers<[1], [0], [0], [1], [0, 0, 1, 1], [], []>, transpose_lhs_hint = false} : vector<128x128xf32>, vector<128x128xf32>, vector<128x128xf32> -> vector<128x128xf32>
    %dot_general3A_346 = arith.constant dense<0.000000e+00> : vector<128x128xf32>
    %dot_general3A_347 = tpu.matmul %dot_general3A_345, %broadcast_in_dim3A_21, %dot_general3A_346 {dimension_numbers = #tpu.dot_dimension_numbers<[1], [0], [0], [1], [0, 0, 1, 1], [], []>, transpose_lhs_hint = false} : vector<128x128xf32>, vector<128x128xf32>, vector<128x128xf32> -> vector<128x128xf32>
    %sub3A_348 = arith.subf %dot_general3A_343, %convert_element_type3A_341 : vector<128x128xf32>
    %add3A_349 = arith.addf %sub3A_348, %dot_general3A_347 : vector<128x128xf32>
    %mul3A_350 = arith.mulf %convert_element_type3A_341, %add3A_349 : vector<128x128xf32>
    %add3A_351 = arith.addf %add3A_330, %mul3A_350 : vector<128x128xf32>
    %reduce_sum3A_352 = vector.shape_cast %convert_element_type3A_341 : vector<128x128xf32> to vector<1x128x128xf32>
    %reduce_sum3A_353 = arith.constant dense<0.000000e+00> : vector<1xf32>
    %reduce_sum3A_354 = vector.multi_reduction <add>, %reduce_sum3A_352, %reduce_sum3A_353 [1, 2] : vector<1x128x128xf32> to vector<1xf32>
    %reduce_sum3A_355 = vector.shape_cast %reduce_sum3A_354 : vector<1xf32> to vector<1x1x1xf32>
    %reduce_sum3A_356 = vector.extract %reduce_sum3A_355[0, 0, 0] : f32 from vector<1x1x1xf32>
    %convert_element_type3A_357 = arith.fptosi %reduce_sum3A_356 : f32 to i32
    %add3A_358 = arith.constant 1023 : i32
    %add3A_359 = arith.addi %convert_element_type3A_42, %add3A_358 : i32
    %jit3A = arith.constant 1024 : i32
    %div3A = arith.divsi %add3A_359, %jit3A : i32
    %sign3A = arith.constant 0 : i32
    %sign3A_360 = arith.cmpi sgt, %add3A_359, %sign3A : i32
    %sign3A_361 = arith.extui %sign3A_360 : i1 to i32
    %sign3A_362 = arith.constant 0 : i32
    %sign3A_363 = arith.cmpi slt, %add3A_359, %sign3A_362 : i32
    %sign3A_364 = arith.extui %sign3A_363 : i1 to i32
    %sign3A_365 = arith.subi %sign3A_361, %sign3A_364 : i32
    %sign3A_366 = arith.constant 0 : i32
    %sign3A_367 = arith.cmpi sgt, %jit3A, %sign3A_366 : i32
    %sign3A_368 = arith.extui %sign3A_367 : i1 to i32
    %sign3A_369 = arith.constant 0 : i32
    %sign3A_370 = arith.cmpi slt, %jit3A, %sign3A_369 : i32
    %sign3A_371 = arith.extui %sign3A_370 : i1 to i32
    %sign3A_372 = arith.subi %sign3A_368, %sign3A_371 : i32
    %ne3A = arith.cmpi ne, %sign3A_365, %sign3A_372 : i32
    %rem3A = arith.remsi %add3A_359, %jit3A : i32
    %ne3A_373 = arith.constant 0 : i32
    %ne3A_374 = arith.cmpi ne, %rem3A, %ne3A_373 : i32
    %and3A = arith.andi %ne3A, %ne3A_374 : i1
    %sub3A_375 = arith.constant 1 : i32
    %sub3A_376 = arith.subi %div3A, %sub3A_375 : i32
    %select_n3A = arith.select %and3A, %sub3A_376, %div3A : i32
    %mul3A_377 = arith.constant 0 : i32
    %mul3A_378 = arith.constant 1024 : i32
    %mul3A_379 = arith.muli %mul3A_377, %mul3A_378 : i32
    %add3A_380 = arith.constant 0 : i32
    %add3A_381 = arith.addi %add3A_380, %select_n3A : i32
    %add3A_382 = arith.constant 1023 : i32
    %add3A_383 = arith.addi %convert_element_type3A_63, %add3A_382 : i32
    %jit3A_384 = arith.constant 1024 : i32
    %div3A_385 = arith.divsi %add3A_383, %jit3A_384 : i32
    %sign3A_386 = arith.constant 0 : i32
    %sign3A_387 = arith.cmpi sgt, %add3A_383, %sign3A_386 : i32
    %sign3A_388 = arith.extui %sign3A_387 : i1 to i32
    %sign3A_389 = arith.constant 0 : i32
    %sign3A_390 = arith.cmpi slt, %add3A_383, %sign3A_389 : i32
    %sign3A_391 = arith.extui %sign3A_390 : i1 to i32
    %sign3A_392 = arith.subi %sign3A_388, %sign3A_391 : i32
    %sign3A_393 = arith.constant 0 : i32
    %sign3A_394 = arith.cmpi sgt, %jit3A_384, %sign3A_393 : i32
    %sign3A_395 = arith.extui %sign3A_394 : i1 to i32
    %sign3A_396 = arith.constant 0 : i32
    %sign3A_397 = arith.cmpi slt, %jit3A_384, %sign3A_396 : i32
    %sign3A_398 = arith.extui %sign3A_397 : i1 to i32
    %sign3A_399 = arith.subi %sign3A_395, %sign3A_398 : i32
    %ne3A_400 = arith.cmpi ne, %sign3A_392, %sign3A_399 : i32
    %rem3A_401 = arith.remsi %add3A_383, %jit3A_384 : i32
    %ne3A_402 = arith.constant 0 : i32
    %ne3A_403 = arith.cmpi ne, %rem3A_401, %ne3A_402 : i32
    %and3A_404 = arith.andi %ne3A_400, %ne3A_403 : i1
    %sub3A_405 = arith.constant 1 : i32
    %sub3A_406 = arith.subi %div3A_385, %sub3A_405 : i32
    %select_n3A_407 = arith.select %and3A_404, %sub3A_406, %div3A_385 : i32
    %mul3A_408 = arith.constant 1024 : i32
    %mul3A_409 = arith.muli %add3A_381, %mul3A_408 : i32
    %add3A_410 = arith.addi %add3A_381, %select_n3A_407 : i32
    %add3A_411 = arith.constant 1023 : i32
    %add3A_412 = arith.addi %convert_element_type3A_84, %add3A_411 : i32
    %jit3A_413 = arith.constant 1024 : i32
    %div3A_414 = arith.divsi %add3A_412, %jit3A_413 : i32
    %sign3A_415 = arith.constant 0 : i32
    %sign3A_416 = arith.cmpi sgt, %add3A_412, %sign3A_415 : i32
    %sign3A_417 = arith.extui %sign3A_416 : i1 to i32
    %sign3A_418 = arith.constant 0 : i32
    %sign3A_419 = arith.cmpi slt, %add3A_412, %sign3A_418 : i32
    %sign3A_420 = arith.extui %sign3A_419 : i1 to i32
    %sign3A_421 = arith.subi %sign3A_417, %sign3A_420 : i32
    %sign3A_422 = arith.constant 0 : i32
    %sign3A_423 = arith.cmpi sgt, %jit3A_413, %sign3A_422 : i32
    %sign3A_424 = arith.extui %sign3A_423 : i1 to i32
    %sign3A_425 = arith.constant 0 : i32
    %sign3A_426 = arith.cmpi slt, %jit3A_413, %sign3A_425 : i32
    %sign3A_427 = arith.extui %sign3A_426 : i1 to i32
    %sign3A_428 = arith.subi %sign3A_424, %sign3A_427 : i32
    %ne3A_429 = arith.cmpi ne, %sign3A_421, %sign3A_428 : i32
    %rem3A_430 = arith.remsi %add3A_412, %jit3A_413 : i32
    %ne3A_431 = arith.constant 0 : i32
    %ne3A_432 = arith.cmpi ne, %rem3A_430, %ne3A_431 : i32
    %and3A_433 = arith.andi %ne3A_429, %ne3A_432 : i1
    %sub3A_434 = arith.constant 1 : i32
    %sub3A_435 = arith.subi %div3A_414, %sub3A_434 : i32
    %select_n3A_436 = arith.select %and3A_433, %sub3A_435, %div3A_414 : i32
    %mul3A_437 = arith.constant 1024 : i32
    %mul3A_438 = arith.muli %add3A_410, %mul3A_437 : i32
    %add3A_439 = arith.addi %add3A_410, %select_n3A_436 : i32
    %add3A_440 = arith.constant 1023 : i32
    %add3A_441 = arith.addi %convert_element_type3A_105, %add3A_440 : i32
    %jit3A_442 = arith.constant 1024 : i32
    %div3A_443 = arith.divsi %add3A_441, %jit3A_442 : i32
    %sign3A_444 = arith.constant 0 : i32
    %sign3A_445 = arith.cmpi sgt, %add3A_441, %sign3A_444 : i32
    %sign3A_446 = arith.extui %sign3A_445 : i1 to i32
    %sign3A_447 = arith.constant 0 : i32
    %sign3A_448 = arith.cmpi slt, %add3A_441, %sign3A_447 : i32
    %sign3A_449 = arith.extui %sign3A_448 : i1 to i32
    %sign3A_450 = arith.subi %sign3A_446, %sign3A_449 : i32
    %sign3A_451 = arith.constant 0 : i32
    %sign3A_452 = arith.cmpi sgt, %jit3A_442, %sign3A_451 : i32
    %sign3A_453 = arith.extui %sign3A_452 : i1 to i32
    %sign3A_454 = arith.constant 0 : i32
    %sign3A_455 = arith.cmpi slt, %jit3A_442, %sign3A_454 : i32
    %sign3A_456 = arith.extui %sign3A_455 : i1 to i32
    %sign3A_457 = arith.subi %sign3A_453, %sign3A_456 : i32
    %ne3A_458 = arith.cmpi ne, %sign3A_450, %sign3A_457 : i32
    %rem3A_459 = arith.remsi %add3A_441, %jit3A_442 : i32
    %ne3A_460 = arith.constant 0 : i32
    %ne3A_461 = arith.cmpi ne, %rem3A_459, %ne3A_460 : i32
    %and3A_462 = arith.andi %ne3A_458, %ne3A_461 : i1
    %sub3A_463 = arith.constant 1 : i32
    %sub3A_464 = arith.subi %div3A_443, %sub3A_463 : i32
    %select_n3A_465 = arith.select %and3A_462, %sub3A_464, %div3A_443 : i32
    %mul3A_466 = arith.constant 1024 : i32
    %mul3A_467 = arith.muli %add3A_439, %mul3A_466 : i32
    %add3A_468 = arith.addi %add3A_439, %select_n3A_465 : i32
    %add3A_469 = arith.constant 1023 : i32
    %add3A_470 = arith.addi %convert_element_type3A_126, %add3A_469 : i32
    %jit3A_471 = arith.constant 1024 : i32
    %div3A_472 = arith.divsi %add3A_470, %jit3A_471 : i32
    %sign3A_473 = arith.constant 0 : i32
    %sign3A_474 = arith.cmpi sgt, %add3A_470, %sign3A_473 : i32
    %sign3A_475 = arith.extui %sign3A_474 : i1 to i32
    %sign3A_476 = arith.constant 0 : i32
    %sign3A_477 = arith.cmpi slt, %add3A_470, %sign3A_476 : i32
    %sign3A_478 = arith.extui %sign3A_477 : i1 to i32
    %sign3A_479 = arith.subi %sign3A_475, %sign3A_478 : i32
    %sign3A_480 = arith.constant 0 : i32
    %sign3A_481 = arith.cmpi sgt, %jit3A_471, %sign3A_480 : i32
    %sign3A_482 = arith.extui %sign3A_481 : i1 to i32
    %sign3A_483 = arith.constant 0 : i32
    %sign3A_484 = arith.cmpi slt, %jit3A_471, %sign3A_483 : i32
    %sign3A_485 = arith.extui %sign3A_484 : i1 to i32
    %sign3A_486 = arith.subi %sign3A_482, %sign3A_485 : i32
    %ne3A_487 = arith.cmpi ne, %sign3A_479, %sign3A_486 : i32
    %rem3A_488 = arith.remsi %add3A_470, %jit3A_471 : i32
    %ne3A_489 = arith.constant 0 : i32
    %ne3A_490 = arith.cmpi ne, %rem3A_488, %ne3A_489 : i32
    %and3A_491 = arith.andi %ne3A_487, %ne3A_490 : i1
    %sub3A_492 = arith.constant 1 : i32
    %sub3A_493 = arith.subi %div3A_472, %sub3A_492 : i32
    %select_n3A_494 = arith.select %and3A_491, %sub3A_493, %div3A_472 : i32
    %mul3A_495 = arith.constant 1024 : i32
    %mul3A_496 = arith.muli %add3A_468, %mul3A_495 : i32
    %add3A_497 = arith.addi %add3A_468, %select_n3A_494 : i32
    %add3A_498 = arith.constant 1023 : i32
    %add3A_499 = arith.addi %convert_element_type3A_147, %add3A_498 : i32
    %jit3A_500 = arith.constant 1024 : i32
    %div3A_501 = arith.divsi %add3A_499, %jit3A_500 : i32
    %sign3A_502 = arith.constant 0 : i32
    %sign3A_503 = arith.cmpi sgt, %add3A_499, %sign3A_502 : i32
    %sign3A_504 = arith.extui %sign3A_503 : i1 to i32
    %sign3A_505 = arith.constant 0 : i32
    %sign3A_506 = arith.cmpi slt, %add3A_499, %sign3A_505 : i32
    %sign3A_507 = arith.extui %sign3A_506 : i1 to i32
    %sign3A_508 = arith.subi %sign3A_504, %sign3A_507 : i32
    %sign3A_509 = arith.constant 0 : i32
    %sign3A_510 = arith.cmpi sgt, %jit3A_500, %sign3A_509 : i32
    %sign3A_511 = arith.extui %sign3A_510 : i1 to i32
    %sign3A_512 = arith.constant 0 : i32
    %sign3A_513 = arith.cmpi slt, %jit3A_500, %sign3A_512 : i32
    %sign3A_514 = arith.extui %sign3A_513 : i1 to i32
    %sign3A_515 = arith.subi %sign3A_511, %sign3A_514 : i32
    %ne3A_516 = arith.cmpi ne, %sign3A_508, %sign3A_515 : i32
    %rem3A_517 = arith.remsi %add3A_499, %jit3A_500 : i32
    %ne3A_518 = arith.constant 0 : i32
    %ne3A_519 = arith.cmpi ne, %rem3A_517, %ne3A_518 : i32
    %and3A_520 = arith.andi %ne3A_516, %ne3A_519 : i1
    %sub3A_521 = arith.constant 1 : i32
    %sub3A_522 = arith.subi %div3A_501, %sub3A_521 : i32
    %select_n3A_523 = arith.select %and3A_520, %sub3A_522, %div3A_501 : i32
    %mul3A_524 = arith.constant 1024 : i32
    %mul3A_525 = arith.muli %add3A_497, %mul3A_524 : i32
    %add3A_526 = arith.addi %add3A_497, %select_n3A_523 : i32
    %add3A_527 = arith.constant 1023 : i32
    %add3A_528 = arith.addi %convert_element_type3A_168, %add3A_527 : i32
    %jit3A_529 = arith.constant 1024 : i32
    %div3A_530 = arith.divsi %add3A_528, %jit3A_529 : i32
    %sign3A_531 = arith.constant 0 : i32
    %sign3A_532 = arith.cmpi sgt, %add3A_528, %sign3A_531 : i32
    %sign3A_533 = arith.extui %sign3A_532 : i1 to i32
    %sign3A_534 = arith.constant 0 : i32
    %sign3A_535 = arith.cmpi slt, %add3A_528, %sign3A_534 : i32
    %sign3A_536 = arith.extui %sign3A_535 : i1 to i32
    %sign3A_537 = arith.subi %sign3A_533, %sign3A_536 : i32
    %sign3A_538 = arith.constant 0 : i32
    %sign3A_539 = arith.cmpi sgt, %jit3A_529, %sign3A_538 : i32
    %sign3A_540 = arith.extui %sign3A_539 : i1 to i32
    %sign3A_541 = arith.constant 0 : i32
    %sign3A_542 = arith.cmpi slt, %jit3A_529, %sign3A_541 : i32
    %sign3A_543 = arith.extui %sign3A_542 : i1 to i32
    %sign3A_544 = arith.subi %sign3A_540, %sign3A_543 : i32
    %ne3A_545 = arith.cmpi ne, %sign3A_537, %sign3A_544 : i32
    %rem3A_546 = arith.remsi %add3A_528, %jit3A_529 : i32
    %ne3A_547 = arith.constant 0 : i32
    %ne3A_548 = arith.cmpi ne, %rem3A_546, %ne3A_547 : i32
    %and3A_549 = arith.andi %ne3A_545, %ne3A_548 : i1
    %sub3A_550 = arith.constant 1 : i32
    %sub3A_551 = arith.subi %div3A_530, %sub3A_550 : i32
    %select_n3A_552 = arith.select %and3A_549, %sub3A_551, %div3A_530 : i32
    %mul3A_553 = arith.constant 1024 : i32
    %mul3A_554 = arith.muli %add3A_526, %mul3A_553 : i32
    %add3A_555 = arith.addi %add3A_526, %select_n3A_552 : i32
    %add3A_556 = arith.constant 1023 : i32
    %add3A_557 = arith.addi %convert_element_type3A_189, %add3A_556 : i32
    %jit3A_558 = arith.constant 1024 : i32
    %div3A_559 = arith.divsi %add3A_557, %jit3A_558 : i32
    %sign3A_560 = arith.constant 0 : i32
    %sign3A_561 = arith.cmpi sgt, %add3A_557, %sign3A_560 : i32
    %sign3A_562 = arith.extui %sign3A_561 : i1 to i32
    %sign3A_563 = arith.constant 0 : i32
    %sign3A_564 = arith.cmpi slt, %add3A_557, %sign3A_563 : i32
    %sign3A_565 = arith.extui %sign3A_564 : i1 to i32
    %sign3A_566 = arith.subi %sign3A_562, %sign3A_565 : i32
    %sign3A_567 = arith.constant 0 : i32
    %sign3A_568 = arith.cmpi sgt, %jit3A_558, %sign3A_567 : i32
    %sign3A_569 = arith.extui %sign3A_568 : i1 to i32
    %sign3A_570 = arith.constant 0 : i32
    %sign3A_571 = arith.cmpi slt, %jit3A_558, %sign3A_570 : i32
    %sign3A_572 = arith.extui %sign3A_571 : i1 to i32
    %sign3A_573 = arith.subi %sign3A_569, %sign3A_572 : i32
    %ne3A_574 = arith.cmpi ne, %sign3A_566, %sign3A_573 : i32
    %rem3A_575 = arith.remsi %add3A_557, %jit3A_558 : i32
    %ne3A_576 = arith.constant 0 : i32
    %ne3A_577 = arith.cmpi ne, %rem3A_575, %ne3A_576 : i32
    %and3A_578 = arith.andi %ne3A_574, %ne3A_577 : i1
    %sub3A_579 = arith.constant 1 : i32
    %sub3A_580 = arith.subi %div3A_559, %sub3A_579 : i32
    %select_n3A_581 = arith.select %and3A_578, %sub3A_580, %div3A_559 : i32
    %mul3A_582 = arith.constant 1024 : i32
    %mul3A_583 = arith.muli %add3A_555, %mul3A_582 : i32
    %add3A_584 = arith.addi %add3A_555, %select_n3A_581 : i32
    %add3A_585 = arith.constant 1023 : i32
    %add3A_586 = arith.addi %convert_element_type3A_210, %add3A_585 : i32
    %jit3A_587 = arith.constant 1024 : i32
    %div3A_588 = arith.divsi %add3A_586, %jit3A_587 : i32
    %sign3A_589 = arith.constant 0 : i32
    %sign3A_590 = arith.cmpi sgt, %add3A_586, %sign3A_589 : i32
    %sign3A_591 = arith.extui %sign3A_590 : i1 to i32
    %sign3A_592 = arith.constant 0 : i32
    %sign3A_593 = arith.cmpi slt, %add3A_586, %sign3A_592 : i32
    %sign3A_594 = arith.extui %sign3A_593 : i1 to i32
    %sign3A_595 = arith.subi %sign3A_591, %sign3A_594 : i32
    %sign3A_596 = arith.constant 0 : i32
    %sign3A_597 = arith.cmpi sgt, %jit3A_587, %sign3A_596 : i32
    %sign3A_598 = arith.extui %sign3A_597 : i1 to i32
    %sign3A_599 = arith.constant 0 : i32
    %sign3A_600 = arith.cmpi slt, %jit3A_587, %sign3A_599 : i32
    %sign3A_601 = arith.extui %sign3A_600 : i1 to i32
    %sign3A_602 = arith.subi %sign3A_598, %sign3A_601 : i32
    %ne3A_603 = arith.cmpi ne, %sign3A_595, %sign3A_602 : i32
    %rem3A_604 = arith.remsi %add3A_586, %jit3A_587 : i32
    %ne3A_605 = arith.constant 0 : i32
    %ne3A_606 = arith.cmpi ne, %rem3A_604, %ne3A_605 : i32
    %and3A_607 = arith.andi %ne3A_603, %ne3A_606 : i1
    %sub3A_608 = arith.constant 1 : i32
    %sub3A_609 = arith.subi %div3A_588, %sub3A_608 : i32
    %select_n3A_610 = arith.select %and3A_607, %sub3A_609, %div3A_588 : i32
    %mul3A_611 = arith.constant 1024 : i32
    %mul3A_612 = arith.muli %add3A_584, %mul3A_611 : i32
    %add3A_613 = arith.addi %add3A_584, %select_n3A_610 : i32
    %add3A_614 = arith.constant 1023 : i32
    %add3A_615 = arith.addi %convert_element_type3A_231, %add3A_614 : i32
    %jit3A_616 = arith.constant 1024 : i32
    %div3A_617 = arith.divsi %add3A_615, %jit3A_616 : i32
    %sign3A_618 = arith.constant 0 : i32
    %sign3A_619 = arith.cmpi sgt, %add3A_615, %sign3A_618 : i32
    %sign3A_620 = arith.extui %sign3A_619 : i1 to i32
    %sign3A_621 = arith.constant 0 : i32
    %sign3A_622 = arith.cmpi slt, %add3A_615, %sign3A_621 : i32
    %sign3A_623 = arith.extui %sign3A_622 : i1 to i32
    %sign3A_624 = arith.subi %sign3A_620, %sign3A_623 : i32
    %sign3A_625 = arith.constant 0 : i32
    %sign3A_626 = arith.cmpi sgt, %jit3A_616, %sign3A_625 : i32
    %sign3A_627 = arith.extui %sign3A_626 : i1 to i32
    %sign3A_628 = arith.constant 0 : i32
    %sign3A_629 = arith.cmpi slt, %jit3A_616, %sign3A_628 : i32
    %sign3A_630 = arith.extui %sign3A_629 : i1 to i32
    %sign3A_631 = arith.subi %sign3A_627, %sign3A_630 : i32
    %ne3A_632 = arith.cmpi ne, %sign3A_624, %sign3A_631 : i32
    %rem3A_633 = arith.remsi %add3A_615, %jit3A_616 : i32
    %ne3A_634 = arith.constant 0 : i32
    %ne3A_635 = arith.cmpi ne, %rem3A_633, %ne3A_634 : i32
    %and3A_636 = arith.andi %ne3A_632, %ne3A_635 : i1
    %sub3A_637 = arith.constant 1 : i32
    %sub3A_638 = arith.subi %div3A_617, %sub3A_637 : i32
    %select_n3A_639 = arith.select %and3A_636, %sub3A_638, %div3A_617 : i32
    %mul3A_640 = arith.constant 1024 : i32
    %mul3A_641 = arith.muli %add3A_613, %mul3A_640 : i32
    %add3A_642 = arith.addi %add3A_613, %select_n3A_639 : i32
    %add3A_643 = arith.constant 1023 : i32
    %add3A_644 = arith.addi %convert_element_type3A_252, %add3A_643 : i32
    %jit3A_645 = arith.constant 1024 : i32
    %div3A_646 = arith.divsi %add3A_644, %jit3A_645 : i32
    %sign3A_647 = arith.constant 0 : i32
    %sign3A_648 = arith.cmpi sgt, %add3A_644, %sign3A_647 : i32
    %sign3A_649 = arith.extui %sign3A_648 : i1 to i32
    %sign3A_650 = arith.constant 0 : i32
    %sign3A_651 = arith.cmpi slt, %add3A_644, %sign3A_650 : i32
    %sign3A_652 = arith.extui %sign3A_651 : i1 to i32
    %sign3A_653 = arith.subi %sign3A_649, %sign3A_652 : i32
    %sign3A_654 = arith.constant 0 : i32
    %sign3A_655 = arith.cmpi sgt, %jit3A_645, %sign3A_654 : i32
    %sign3A_656 = arith.extui %sign3A_655 : i1 to i32
    %sign3A_657 = arith.constant 0 : i32
    %sign3A_658 = arith.cmpi slt, %jit3A_645, %sign3A_657 : i32
    %sign3A_659 = arith.extui %sign3A_658 : i1 to i32
    %sign3A_660 = arith.subi %sign3A_656, %sign3A_659 : i32
    %ne3A_661 = arith.cmpi ne, %sign3A_653, %sign3A_660 : i32
    %rem3A_662 = arith.remsi %add3A_644, %jit3A_645 : i32
    %ne3A_663 = arith.constant 0 : i32
    %ne3A_664 = arith.cmpi ne, %rem3A_662, %ne3A_663 : i32
    %and3A_665 = arith.andi %ne3A_661, %ne3A_664 : i1
    %sub3A_666 = arith.constant 1 : i32
    %sub3A_667 = arith.subi %div3A_646, %sub3A_666 : i32
    %select_n3A_668 = arith.select %and3A_665, %sub3A_667, %div3A_646 : i32
    %mul3A_669 = arith.constant 1024 : i32
    %mul3A_670 = arith.muli %add3A_642, %mul3A_669 : i32
    %add3A_671 = arith.addi %add3A_642, %select_n3A_668 : i32
    %add3A_672 = arith.constant 1023 : i32
    %add3A_673 = arith.addi %convert_element_type3A_273, %add3A_672 : i32
    %jit3A_674 = arith.constant 1024 : i32
    %div3A_675 = arith.divsi %add3A_673, %jit3A_674 : i32
    %sign3A_676 = arith.constant 0 : i32
    %sign3A_677 = arith.cmpi sgt, %add3A_673, %sign3A_676 : i32
    %sign3A_678 = arith.extui %sign3A_677 : i1 to i32
    %sign3A_679 = arith.constant 0 : i32
    %sign3A_680 = arith.cmpi slt, %add3A_673, %sign3A_679 : i32
    %sign3A_681 = arith.extui %sign3A_680 : i1 to i32
    %sign3A_682 = arith.subi %sign3A_678, %sign3A_681 : i32
    %sign3A_683 = arith.constant 0 : i32
    %sign3A_684 = arith.cmpi sgt, %jit3A_674, %sign3A_683 : i32
    %sign3A_685 = arith.extui %sign3A_684 : i1 to i32
    %sign3A_686 = arith.constant 0 : i32
    %sign3A_687 = arith.cmpi slt, %jit3A_674, %sign3A_686 : i32
    %sign3A_688 = arith.extui %sign3A_687 : i1 to i32
    %sign3A_689 = arith.subi %sign3A_685, %sign3A_688 : i32
    %ne3A_690 = arith.cmpi ne, %sign3A_682, %sign3A_689 : i32
    %rem3A_691 = arith.remsi %add3A_673, %jit3A_674 : i32
    %ne3A_692 = arith.constant 0 : i32
    %ne3A_693 = arith.cmpi ne, %rem3A_691, %ne3A_692 : i32
    %and3A_694 = arith.andi %ne3A_690, %ne3A_693 : i1
    %sub3A_695 = arith.constant 1 : i32
    %sub3A_696 = arith.subi %div3A_675, %sub3A_695 : i32
    %select_n3A_697 = arith.select %and3A_694, %sub3A_696, %div3A_675 : i32
    %mul3A_698 = arith.constant 1024 : i32
    %mul3A_699 = arith.muli %add3A_671, %mul3A_698 : i32
    %add3A_700 = arith.addi %add3A_671, %select_n3A_697 : i32
    %add3A_701 = arith.constant 1023 : i32
    %add3A_702 = arith.addi %convert_element_type3A_294, %add3A_701 : i32
    %jit3A_703 = arith.constant 1024 : i32
    %div3A_704 = arith.divsi %add3A_702, %jit3A_703 : i32
    %sign3A_705 = arith.constant 0 : i32
    %sign3A_706 = arith.cmpi sgt, %add3A_702, %sign3A_705 : i32
    %sign3A_707 = arith.extui %sign3A_706 : i1 to i32
    %sign3A_708 = arith.constant 0 : i32
    %sign3A_709 = arith.cmpi slt, %add3A_702, %sign3A_708 : i32
    %sign3A_710 = arith.extui %sign3A_709 : i1 to i32
    %sign3A_711 = arith.subi %sign3A_707, %sign3A_710 : i32
    %sign3A_712 = arith.constant 0 : i32
    %sign3A_713 = arith.cmpi sgt, %jit3A_703, %sign3A_712 : i32
    %sign3A_714 = arith.extui %sign3A_713 : i1 to i32
    %sign3A_715 = arith.constant 0 : i32
    %sign3A_716 = arith.cmpi slt, %jit3A_703, %sign3A_715 : i32
    %sign3A_717 = arith.extui %sign3A_716 : i1 to i32
    %sign3A_718 = arith.subi %sign3A_714, %sign3A_717 : i32
    %ne3A_719 = arith.cmpi ne, %sign3A_711, %sign3A_718 : i32
    %rem3A_720 = arith.remsi %add3A_702, %jit3A_703 : i32
    %ne3A_721 = arith.constant 0 : i32
    %ne3A_722 = arith.cmpi ne, %rem3A_720, %ne3A_721 : i32
    %and3A_723 = arith.andi %ne3A_719, %ne3A_722 : i1
    %sub3A_724 = arith.constant 1 : i32
    %sub3A_725 = arith.subi %div3A_704, %sub3A_724 : i32
    %select_n3A_726 = arith.select %and3A_723, %sub3A_725, %div3A_704 : i32
    %mul3A_727 = arith.constant 1024 : i32
    %mul3A_728 = arith.muli %add3A_700, %mul3A_727 : i32
    %add3A_729 = arith.addi %add3A_700, %select_n3A_726 : i32
    %add3A_730 = arith.constant 1023 : i32
    %add3A_731 = arith.addi %convert_element_type3A_315, %add3A_730 : i32
    %jit3A_732 = arith.constant 1024 : i32
    %div3A_733 = arith.divsi %add3A_731, %jit3A_732 : i32
    %sign3A_734 = arith.constant 0 : i32
    %sign3A_735 = arith.cmpi sgt, %add3A_731, %sign3A_734 : i32
    %sign3A_736 = arith.extui %sign3A_735 : i1 to i32
    %sign3A_737 = arith.constant 0 : i32
    %sign3A_738 = arith.cmpi slt, %add3A_731, %sign3A_737 : i32
    %sign3A_739 = arith.extui %sign3A_738 : i1 to i32
    %sign3A_740 = arith.subi %sign3A_736, %sign3A_739 : i32
    %sign3A_741 = arith.constant 0 : i32
    %sign3A_742 = arith.cmpi sgt, %jit3A_732, %sign3A_741 : i32
    %sign3A_743 = arith.extui %sign3A_742 : i1 to i32
    %sign3A_744 = arith.constant 0 : i32
    %sign3A_745 = arith.cmpi slt, %jit3A_732, %sign3A_744 : i32
    %sign3A_746 = arith.extui %sign3A_745 : i1 to i32
    %sign3A_747 = arith.subi %sign3A_743, %sign3A_746 : i32
    %ne3A_748 = arith.cmpi ne, %sign3A_740, %sign3A_747 : i32
    %rem3A_749 = arith.remsi %add3A_731, %jit3A_732 : i32
    %ne3A_750 = arith.constant 0 : i32
    %ne3A_751 = arith.cmpi ne, %rem3A_749, %ne3A_750 : i32
    %and3A_752 = arith.andi %ne3A_748, %ne3A_751 : i1
    %sub3A_753 = arith.constant 1 : i32
    %sub3A_754 = arith.subi %div3A_733, %sub3A_753 : i32
    %select_n3A_755 = arith.select %and3A_752, %sub3A_754, %div3A_733 : i32
    %mul3A_756 = arith.constant 1024 : i32
    %mul3A_757 = arith.muli %add3A_729, %mul3A_756 : i32
    %add3A_758 = arith.addi %add3A_729, %select_n3A_755 : i32
    %add3A_759 = arith.constant 1023 : i32
    %add3A_760 = arith.addi %convert_element_type3A_336, %add3A_759 : i32
    %jit3A_761 = arith.constant 1024 : i32
    %div3A_762 = arith.divsi %add3A_760, %jit3A_761 : i32
    %sign3A_763 = arith.constant 0 : i32
    %sign3A_764 = arith.cmpi sgt, %add3A_760, %sign3A_763 : i32
    %sign3A_765 = arith.extui %sign3A_764 : i1 to i32
    %sign3A_766 = arith.constant 0 : i32
    %sign3A_767 = arith.cmpi slt, %add3A_760, %sign3A_766 : i32
    %sign3A_768 = arith.extui %sign3A_767 : i1 to i32
    %sign3A_769 = arith.subi %sign3A_765, %sign3A_768 : i32
    %sign3A_770 = arith.constant 0 : i32
    %sign3A_771 = arith.cmpi sgt, %jit3A_761, %sign3A_770 : i32
    %sign3A_772 = arith.extui %sign3A_771 : i1 to i32
    %sign3A_773 = arith.constant 0 : i32
    %sign3A_774 = arith.cmpi slt, %jit3A_761, %sign3A_773 : i32
    %sign3A_775 = arith.extui %sign3A_774 : i1 to i32
    %sign3A_776 = arith.subi %sign3A_772, %sign3A_775 : i32
    %ne3A_777 = arith.cmpi ne, %sign3A_769, %sign3A_776 : i32
    %rem3A_778 = arith.remsi %add3A_760, %jit3A_761 : i32
    %ne3A_779 = arith.constant 0 : i32
    %ne3A_780 = arith.cmpi ne, %rem3A_778, %ne3A_779 : i32
    %and3A_781 = arith.andi %ne3A_777, %ne3A_780 : i1
    %sub3A_782 = arith.constant 1 : i32
    %sub3A_783 = arith.subi %div3A_762, %sub3A_782 : i32
    %select_n3A_784 = arith.select %and3A_781, %sub3A_783, %div3A_762 : i32
    %mul3A_785 = arith.constant 1024 : i32
    %mul3A_786 = arith.muli %add3A_758, %mul3A_785 : i32
    %add3A_787 = arith.addi %add3A_758, %select_n3A_784 : i32
    %add3A_788 = arith.constant 1023 : i32
    %add3A_789 = arith.addi %convert_element_type3A_357, %add3A_788 : i32
    %jit3A_790 = arith.constant 1024 : i32
    %div3A_791 = arith.divsi %add3A_789, %jit3A_790 : i32
    %sign3A_792 = arith.constant 0 : i32
    %sign3A_793 = arith.cmpi sgt, %add3A_789, %sign3A_792 : i32
    %sign3A_794 = arith.extui %sign3A_793 : i1 to i32
    %sign3A_795 = arith.constant 0 : i32
    %sign3A_796 = arith.cmpi slt, %add3A_789, %sign3A_795 : i32
    %sign3A_797 = arith.extui %sign3A_796 : i1 to i32
    %sign3A_798 = arith.subi %sign3A_794, %sign3A_797 : i32
    %sign3A_799 = arith.constant 0 : i32
    %sign3A_800 = arith.cmpi sgt, %jit3A_790, %sign3A_799 : i32
    %sign3A_801 = arith.extui %sign3A_800 : i1 to i32
    %sign3A_802 = arith.constant 0 : i32
    %sign3A_803 = arith.cmpi slt, %jit3A_790, %sign3A_802 : i32
    %sign3A_804 = arith.extui %sign3A_803 : i1 to i32
    %sign3A_805 = arith.subi %sign3A_801, %sign3A_804 : i32
    %ne3A_806 = arith.cmpi ne, %sign3A_798, %sign3A_805 : i32
    %rem3A_807 = arith.remsi %add3A_789, %jit3A_790 : i32
    %ne3A_808 = arith.constant 0 : i32
    %ne3A_809 = arith.cmpi ne, %rem3A_807, %ne3A_808 : i32
    %and3A_810 = arith.andi %ne3A_806, %ne3A_809 : i1
    %sub3A_811 = arith.constant 1 : i32
    %sub3A_812 = arith.subi %div3A_791, %sub3A_811 : i32
    %select_n3A_813 = arith.select %and3A_810, %sub3A_812, %div3A_791 : i32
    %mul3A_814 = arith.constant 1024 : i32
    %mul3A_815 = arith.muli %add3A_787, %mul3A_814 : i32
    %add3A_816 = arith.addi %add3A_787, %select_n3A_813 : i32
    %broadcast_in_dim3A_817 = arith.constant 0.000000e+00 : f32
    %broadcast_in_dim3A_818 = vector.broadcast %broadcast_in_dim3A_817 : f32 to vector<128x128xf32>
    %eq3A_819 = arith.constant 0 : i32
    %eq3A_820 = vector.broadcast %eq3A_819 : i32 to vector<128x128xi32>
    %eq3A_821 = arith.cmpi eq, %add3A, %eq3A_820 : vector<128x128xi32>
    %convert_element_type3A_822 = arith.extui %eq3A_821 : vector<128x128xi1> to vector<128x128xi32>
    %convert_element_type3A_823 = arith.sitofp %convert_element_type3A_822 : vector<128x128xi32> to vector<128x128xf32>
    %convert_element_type3A_824 = arith.sitofp %mul3A_379 : i32 to f32
    %mul3A_825 = vector.broadcast %convert_element_type3A_824 : f32 to vector<128x128xf32>
    %mul3A_826 = arith.mulf %convert_element_type3A_823, %mul3A_825 : vector<128x128xf32>
    %add3A_827 = arith.addf %broadcast_in_dim3A_818, %mul3A_826 : vector<128x128xf32>
    %eq3A_828 = arith.constant 1 : i32
    %eq3A_829 = vector.broadcast %eq3A_828 : i32 to vector<128x128xi32>
    %eq3A_830 = arith.cmpi eq, %add3A, %eq3A_829 : vector<128x128xi32>
    %convert_element_type3A_831 = arith.extui %eq3A_830 : vector<128x128xi1> to vector<128x128xi32>
    %convert_element_type3A_832 = arith.sitofp %convert_element_type3A_831 : vector<128x128xi32> to vector<128x128xf32>
    %convert_element_type3A_833 = arith.sitofp %mul3A_409 : i32 to f32
    %mul3A_834 = vector.broadcast %convert_element_type3A_833 : f32 to vector<128x128xf32>
    %mul3A_835 = arith.mulf %convert_element_type3A_832, %mul3A_834 : vector<128x128xf32>
    %add3A_836 = arith.addf %add3A_827, %mul3A_835 : vector<128x128xf32>
    %eq3A_837 = arith.constant 2 : i32
    %eq3A_838 = vector.broadcast %eq3A_837 : i32 to vector<128x128xi32>
    %eq3A_839 = arith.cmpi eq, %add3A, %eq3A_838 : vector<128x128xi32>
    %convert_element_type3A_840 = arith.extui %eq3A_839 : vector<128x128xi1> to vector<128x128xi32>
    %convert_element_type3A_841 = arith.sitofp %convert_element_type3A_840 : vector<128x128xi32> to vector<128x128xf32>
    %convert_element_type3A_842 = arith.sitofp %mul3A_438 : i32 to f32
    %mul3A_843 = vector.broadcast %convert_element_type3A_842 : f32 to vector<128x128xf32>
    %mul3A_844 = arith.mulf %convert_element_type3A_841, %mul3A_843 : vector<128x128xf32>
    %add3A_845 = arith.addf %add3A_836, %mul3A_844 : vector<128x128xf32>
    %eq3A_846 = arith.constant 3 : i32
    %eq3A_847 = vector.broadcast %eq3A_846 : i32 to vector<128x128xi32>
    %eq3A_848 = arith.cmpi eq, %add3A, %eq3A_847 : vector<128x128xi32>
    %convert_element_type3A_849 = arith.extui %eq3A_848 : vector<128x128xi1> to vector<128x128xi32>
    %convert_element_type3A_850 = arith.sitofp %convert_element_type3A_849 : vector<128x128xi32> to vector<128x128xf32>
    %convert_element_type3A_851 = arith.sitofp %mul3A_467 : i32 to f32
    %mul3A_852 = vector.broadcast %convert_element_type3A_851 : f32 to vector<128x128xf32>
    %mul3A_853 = arith.mulf %convert_element_type3A_850, %mul3A_852 : vector<128x128xf32>
    %add3A_854 = arith.addf %add3A_845, %mul3A_853 : vector<128x128xf32>
    %eq3A_855 = arith.constant 4 : i32
    %eq3A_856 = vector.broadcast %eq3A_855 : i32 to vector<128x128xi32>
    %eq3A_857 = arith.cmpi eq, %add3A, %eq3A_856 : vector<128x128xi32>
    %convert_element_type3A_858 = arith.extui %eq3A_857 : vector<128x128xi1> to vector<128x128xi32>
    %convert_element_type3A_859 = arith.sitofp %convert_element_type3A_858 : vector<128x128xi32> to vector<128x128xf32>
    %convert_element_type3A_860 = arith.sitofp %mul3A_496 : i32 to f32
    %mul3A_861 = vector.broadcast %convert_element_type3A_860 : f32 to vector<128x128xf32>
    %mul3A_862 = arith.mulf %convert_element_type3A_859, %mul3A_861 : vector<128x128xf32>
    %add3A_863 = arith.addf %add3A_854, %mul3A_862 : vector<128x128xf32>
    %eq3A_864 = arith.constant 5 : i32
    %eq3A_865 = vector.broadcast %eq3A_864 : i32 to vector<128x128xi32>
    %eq3A_866 = arith.cmpi eq, %add3A, %eq3A_865 : vector<128x128xi32>
    %convert_element_type3A_867 = arith.extui %eq3A_866 : vector<128x128xi1> to vector<128x128xi32>
    %convert_element_type3A_868 = arith.sitofp %convert_element_type3A_867 : vector<128x128xi32> to vector<128x128xf32>
    %convert_element_type3A_869 = arith.sitofp %mul3A_525 : i32 to f32
    %mul3A_870 = vector.broadcast %convert_element_type3A_869 : f32 to vector<128x128xf32>
    %mul3A_871 = arith.mulf %convert_element_type3A_868, %mul3A_870 : vector<128x128xf32>
    %add3A_872 = arith.addf %add3A_863, %mul3A_871 : vector<128x128xf32>
    %eq3A_873 = arith.constant 6 : i32
    %eq3A_874 = vector.broadcast %eq3A_873 : i32 to vector<128x128xi32>
    %eq3A_875 = arith.cmpi eq, %add3A, %eq3A_874 : vector<128x128xi32>
    %convert_element_type3A_876 = arith.extui %eq3A_875 : vector<128x128xi1> to vector<128x128xi32>
    %convert_element_type3A_877 = arith.sitofp %convert_element_type3A_876 : vector<128x128xi32> to vector<128x128xf32>
    %convert_element_type3A_878 = arith.sitofp %mul3A_554 : i32 to f32
    %mul3A_879 = vector.broadcast %convert_element_type3A_878 : f32 to vector<128x128xf32>
    %mul3A_880 = arith.mulf %convert_element_type3A_877, %mul3A_879 : vector<128x128xf32>
    %add3A_881 = arith.addf %add3A_872, %mul3A_880 : vector<128x128xf32>
    %eq3A_882 = arith.constant 7 : i32
    %eq3A_883 = vector.broadcast %eq3A_882 : i32 to vector<128x128xi32>
    %eq3A_884 = arith.cmpi eq, %add3A, %eq3A_883 : vector<128x128xi32>
    %convert_element_type3A_885 = arith.extui %eq3A_884 : vector<128x128xi1> to vector<128x128xi32>
    %convert_element_type3A_886 = arith.sitofp %convert_element_type3A_885 : vector<128x128xi32> to vector<128x128xf32>
    %convert_element_type3A_887 = arith.sitofp %mul3A_583 : i32 to f32
    %mul3A_888 = vector.broadcast %convert_element_type3A_887 : f32 to vector<128x128xf32>
    %mul3A_889 = arith.mulf %convert_element_type3A_886, %mul3A_888 : vector<128x128xf32>
    %add3A_890 = arith.addf %add3A_881, %mul3A_889 : vector<128x128xf32>
    %eq3A_891 = arith.constant 8 : i32
    %eq3A_892 = vector.broadcast %eq3A_891 : i32 to vector<128x128xi32>
    %eq3A_893 = arith.cmpi eq, %add3A, %eq3A_892 : vector<128x128xi32>
    %convert_element_type3A_894 = arith.extui %eq3A_893 : vector<128x128xi1> to vector<128x128xi32>
    %convert_element_type3A_895 = arith.sitofp %convert_element_type3A_894 : vector<128x128xi32> to vector<128x128xf32>
    %convert_element_type3A_896 = arith.sitofp %mul3A_612 : i32 to f32
    %mul3A_897 = vector.broadcast %convert_element_type3A_896 : f32 to vector<128x128xf32>
    %mul3A_898 = arith.mulf %convert_element_type3A_895, %mul3A_897 : vector<128x128xf32>
    %add3A_899 = arith.addf %add3A_890, %mul3A_898 : vector<128x128xf32>
    %eq3A_900 = arith.constant 9 : i32
    %eq3A_901 = vector.broadcast %eq3A_900 : i32 to vector<128x128xi32>
    %eq3A_902 = arith.cmpi eq, %add3A, %eq3A_901 : vector<128x128xi32>
    %convert_element_type3A_903 = arith.extui %eq3A_902 : vector<128x128xi1> to vector<128x128xi32>
    %convert_element_type3A_904 = arith.sitofp %convert_element_type3A_903 : vector<128x128xi32> to vector<128x128xf32>
    %convert_element_type3A_905 = arith.sitofp %mul3A_641 : i32 to f32
    %mul3A_906 = vector.broadcast %convert_element_type3A_905 : f32 to vector<128x128xf32>
    %mul3A_907 = arith.mulf %convert_element_type3A_904, %mul3A_906 : vector<128x128xf32>
    %add3A_908 = arith.addf %add3A_899, %mul3A_907 : vector<128x128xf32>
    %eq3A_909 = arith.constant 10 : i32
    %eq3A_910 = vector.broadcast %eq3A_909 : i32 to vector<128x128xi32>
    %eq3A_911 = arith.cmpi eq, %add3A, %eq3A_910 : vector<128x128xi32>
    %convert_element_type3A_912 = arith.extui %eq3A_911 : vector<128x128xi1> to vector<128x128xi32>
    %convert_element_type3A_913 = arith.sitofp %convert_element_type3A_912 : vector<128x128xi32> to vector<128x128xf32>
    %convert_element_type3A_914 = arith.sitofp %mul3A_670 : i32 to f32
    %mul3A_915 = vector.broadcast %convert_element_type3A_914 : f32 to vector<128x128xf32>
    %mul3A_916 = arith.mulf %convert_element_type3A_913, %mul3A_915 : vector<128x128xf32>
    %add3A_917 = arith.addf %add3A_908, %mul3A_916 : vector<128x128xf32>
    %eq3A_918 = arith.constant 11 : i32
    %eq3A_919 = vector.broadcast %eq3A_918 : i32 to vector<128x128xi32>
    %eq3A_920 = arith.cmpi eq, %add3A, %eq3A_919 : vector<128x128xi32>
    %convert_element_type3A_921 = arith.extui %eq3A_920 : vector<128x128xi1> to vector<128x128xi32>
    %convert_element_type3A_922 = arith.sitofp %convert_element_type3A_921 : vector<128x128xi32> to vector<128x128xf32>
    %convert_element_type3A_923 = arith.sitofp %mul3A_699 : i32 to f32
    %mul3A_924 = vector.broadcast %convert_element_type3A_923 : f32 to vector<128x128xf32>
    %mul3A_925 = arith.mulf %convert_element_type3A_922, %mul3A_924 : vector<128x128xf32>
    %add3A_926 = arith.addf %add3A_917, %mul3A_925 : vector<128x128xf32>
    %eq3A_927 = arith.constant 12 : i32
    %eq3A_928 = vector.broadcast %eq3A_927 : i32 to vector<128x128xi32>
    %eq3A_929 = arith.cmpi eq, %add3A, %eq3A_928 : vector<128x128xi32>
    %convert_element_type3A_930 = arith.extui %eq3A_929 : vector<128x128xi1> to vector<128x128xi32>
    %convert_element_type3A_931 = arith.sitofp %convert_element_type3A_930 : vector<128x128xi32> to vector<128x128xf32>
    %convert_element_type3A_932 = arith.sitofp %mul3A_728 : i32 to f32
    %mul3A_933 = vector.broadcast %convert_element_type3A_932 : f32 to vector<128x128xf32>
    %mul3A_934 = arith.mulf %convert_element_type3A_931, %mul3A_933 : vector<128x128xf32>
    %add3A_935 = arith.addf %add3A_926, %mul3A_934 : vector<128x128xf32>
    %eq3A_936 = arith.constant 13 : i32
    %eq3A_937 = vector.broadcast %eq3A_936 : i32 to vector<128x128xi32>
    %eq3A_938 = arith.cmpi eq, %add3A, %eq3A_937 : vector<128x128xi32>
    %convert_element_type3A_939 = arith.extui %eq3A_938 : vector<128x128xi1> to vector<128x128xi32>
    %convert_element_type3A_940 = arith.sitofp %convert_element_type3A_939 : vector<128x128xi32> to vector<128x128xf32>
    %convert_element_type3A_941 = arith.sitofp %mul3A_757 : i32 to f32
    %mul3A_942 = vector.broadcast %convert_element_type3A_941 : f32 to vector<128x128xf32>
    %mul3A_943 = arith.mulf %convert_element_type3A_940, %mul3A_942 : vector<128x128xf32>
    %add3A_944 = arith.addf %add3A_935, %mul3A_943 : vector<128x128xf32>
    %eq3A_945 = arith.constant 14 : i32
    %eq3A_946 = vector.broadcast %eq3A_945 : i32 to vector<128x128xi32>
    %eq3A_947 = arith.cmpi eq, %add3A, %eq3A_946 : vector<128x128xi32>
    %convert_element_type3A_948 = arith.extui %eq3A_947 : vector<128x128xi1> to vector<128x128xi32>
    %convert_element_type3A_949 = arith.sitofp %convert_element_type3A_948 : vector<128x128xi32> to vector<128x128xf32>
    %convert_element_type3A_950 = arith.sitofp %mul3A_786 : i32 to f32
    %mul3A_951 = vector.broadcast %convert_element_type3A_950 : f32 to vector<128x128xf32>
    %mul3A_952 = arith.mulf %convert_element_type3A_949, %mul3A_951 : vector<128x128xf32>
    %add3A_953 = arith.addf %add3A_944, %mul3A_952 : vector<128x128xf32>
    %eq3A_954 = arith.constant 15 : i32
    %eq3A_955 = vector.broadcast %eq3A_954 : i32 to vector<128x128xi32>
    %eq3A_956 = arith.cmpi eq, %add3A, %eq3A_955 : vector<128x128xi32>
    %convert_element_type3A_957 = arith.extui %eq3A_956 : vector<128x128xi1> to vector<128x128xi32>
    %convert_element_type3A_958 = arith.sitofp %convert_element_type3A_957 : vector<128x128xi32> to vector<128x128xf32>
    %convert_element_type3A_959 = arith.sitofp %mul3A_815 : i32 to f32
    %mul3A_960 = vector.broadcast %convert_element_type3A_959 : f32 to vector<128x128xf32>
    %mul3A_961 = arith.mulf %convert_element_type3A_958, %mul3A_960 : vector<128x128xf32>
    %add3A_962 = arith.addf %add3A_953, %mul3A_961 : vector<128x128xf32>
    %add3A_963 = arith.addf %add3A_351, %add3A_962 : vector<128x128xf32>
    %convert_element_type3A_964 = arith.fptosi %add3A_963 : vector<128x128xf32> to vector<128x128xi32>
    %swap3A_965 = arith.constant 0 : index
    %swap3A_966 = arith.constant 0 : index
    %swap3A_967 = vector.load %arg3[%swap3A_965, %swap3A_966] : memref<128x128xi32, #tpu.memory_space<vmem>>, vector<128x128xi32>
    tpu.vector_store %arg3[%swap3A_965, %swap3A_966], %convert_element_type3A_964 {strides = array<i32>} : memref<128x128xi32, #tpu.memory_space<vmem>>, vector<128x128xi32>,
    %iota3A_968 = tpu.iota {dimensions = array<i32: 0>} : vector<8x128xi32>
    %iota3A_969 = tpu.iota {dimensions = array<i32: 1>} : vector<8x128xi32>
    %broadcast_in_dim3A_970 = arith.constant 0 : i32
    %broadcast_in_dim3A_971 = vector.broadcast %broadcast_in_dim3A_970 : i32 to vector<8x128xi32>
    %ge3A = vector.broadcast %add3A_381 : i32 to vector<8x128xi32>
    %ge3A_972 = arith.cmpi sge, %iota3A_969, %ge3A : vector<8x128xi32>
    %convert_element_type3A_973 = arith.extui %ge3A_972 : vector<8x128xi1> to vector<8x128xi32>
    %add3A_974 = arith.addi %broadcast_in_dim3A_971, %convert_element_type3A_973 : vector<8x128xi32>
    %lt3A_975 = arith.cmpi slt, %add3A_381, %add3A_816 : i32
    %convert_element_type3A_976 = arith.extui %lt3A_975 : i1 to i32
    %add3A_977 = arith.constant 0 : i32
    %add3A_978 = arith.addi %add3A_977, %convert_element_type3A_976 : i32
    %ge3A_979 = vector.broadcast %add3A_410 : i32 to vector<8x128xi32>
    %ge3A_980 = arith.cmpi sge, %iota3A_969, %ge3A_979 : vector<8x128xi32>
    %convert_element_type3A_981 = arith.extui %ge3A_980 : vector<8x128xi1> to vector<8x128xi32>
    %add3A_982 = arith.addi %add3A_974, %convert_element_type3A_981 : vector<8x128xi32>
    %lt3A_983 = arith.cmpi slt, %add3A_410, %add3A_816 : i32
    %convert_element_type3A_984 = arith.extui %lt3A_983 : i1 to i32
    %add3A_985 = arith.addi %add3A_978, %convert_element_type3A_984 : i32
    %ge3A_986 = vector.broadcast %add3A_439 : i32 to vector<8x128xi32>
    %ge3A_987 = arith.cmpi sge, %iota3A_969, %ge3A_986 : vector<8x128xi32>
    %convert_element_type3A_988 = arith.extui %ge3A_987 : vector<8x128xi1> to vector<8x128xi32>
    %add3A_989 = arith.addi %add3A_982, %convert_element_type3A_988 : vector<8x128xi32>
    %lt3A_990 = arith.cmpi slt, %add3A_439, %add3A_816 : i32
    %convert_element_type3A_991 = arith.extui %lt3A_990 : i1 to i32
    %add3A_992 = arith.addi %add3A_985, %convert_element_type3A_991 : i32
    %ge3A_993 = vector.broadcast %add3A_468 : i32 to vector<8x128xi32>
    %ge3A_994 = arith.cmpi sge, %iota3A_969, %ge3A_993 : vector<8x128xi32>
    %convert_element_type3A_995 = arith.extui %ge3A_994 : vector<8x128xi1> to vector<8x128xi32>
    %add3A_996 = arith.addi %add3A_989, %convert_element_type3A_995 : vector<8x128xi32>
    %lt3A_997 = arith.cmpi slt, %add3A_468, %add3A_816 : i32
    %convert_element_type3A_998 = arith.extui %lt3A_997 : i1 to i32
    %add3A_999 = arith.addi %add3A_992, %convert_element_type3A_998 : i32
    %ge3A_1000 = vector.broadcast %add3A_497 : i32 to vector<8x128xi32>
    %ge3A_1001 = arith.cmpi sge, %iota3A_969, %ge3A_1000 : vector<8x128xi32>
    %convert_element_type3A_1002 = arith.extui %ge3A_1001 : vector<8x128xi1> to vector<8x128xi32>
    %add3A_1003 = arith.addi %add3A_996, %convert_element_type3A_1002 : vector<8x128xi32>
    %lt3A_1004 = arith.cmpi slt, %add3A_497, %add3A_816 : i32
    %convert_element_type3A_1005 = arith.extui %lt3A_1004 : i1 to i32
    %add3A_1006 = arith.addi %add3A_999, %convert_element_type3A_1005 : i32
    %ge3A_1007 = vector.broadcast %add3A_526 : i32 to vector<8x128xi32>
    %ge3A_1008 = arith.cmpi sge, %iota3A_969, %ge3A_1007 : vector<8x128xi32>
    %convert_element_type3A_1009 = arith.extui %ge3A_1008 : vector<8x128xi1> to vector<8x128xi32>
    %add3A_1010 = arith.addi %add3A_1003, %convert_element_type3A_1009 : vector<8x128xi32>
    %lt3A_1011 = arith.cmpi slt, %add3A_526, %add3A_816 : i32
    %convert_element_type3A_1012 = arith.extui %lt3A_1011 : i1 to i32
    %add3A_1013 = arith.addi %add3A_1006, %convert_element_type3A_1012 : i32
    %ge3A_1014 = vector.broadcast %add3A_555 : i32 to vector<8x128xi32>
    %ge3A_1015 = arith.cmpi sge, %iota3A_969, %ge3A_1014 : vector<8x128xi32>
    %convert_element_type3A_1016 = arith.extui %ge3A_1015 : vector<8x128xi1> to vector<8x128xi32>
    %add3A_1017 = arith.addi %add3A_1010, %convert_element_type3A_1016 : vector<8x128xi32>
    %lt3A_1018 = arith.cmpi slt, %add3A_555, %add3A_816 : i32
    %convert_element_type3A_1019 = arith.extui %lt3A_1018 : i1 to i32
    %add3A_1020 = arith.addi %add3A_1013, %convert_element_type3A_1019 : i32
    %ge3A_1021 = vector.broadcast %add3A_584 : i32 to vector<8x128xi32>
    %ge3A_1022 = arith.cmpi sge, %iota3A_969, %ge3A_1021 : vector<8x128xi32>
    %convert_element_type3A_1023 = arith.extui %ge3A_1022 : vector<8x128xi1> to vector<8x128xi32>
    %add3A_1024 = arith.addi %add3A_1017, %convert_element_type3A_1023 : vector<8x128xi32>
    %lt3A_1025 = arith.cmpi slt, %add3A_584, %add3A_816 : i32
    %convert_element_type3A_1026 = arith.extui %lt3A_1025 : i1 to i32
    %add3A_1027 = arith.addi %add3A_1020, %convert_element_type3A_1026 : i32
    %ge3A_1028 = vector.broadcast %add3A_613 : i32 to vector<8x128xi32>
    %ge3A_1029 = arith.cmpi sge, %iota3A_969, %ge3A_1028 : vector<8x128xi32>
    %convert_element_type3A_1030 = arith.extui %ge3A_1029 : vector<8x128xi1> to vector<8x128xi32>
    %add3A_1031 = arith.addi %add3A_1024, %convert_element_type3A_1030 : vector<8x128xi32>
    %lt3A_1032 = arith.cmpi slt, %add3A_613, %add3A_816 : i32
    %convert_element_type3A_1033 = arith.extui %lt3A_1032 : i1 to i32
    %add3A_1034 = arith.addi %add3A_1027, %convert_element_type3A_1033 : i32
    %ge3A_1035 = vector.broadcast %add3A_642 : i32 to vector<8x128xi32>
    %ge3A_1036 = arith.cmpi sge, %iota3A_969, %ge3A_1035 : vector<8x128xi32>
    %convert_element_type3A_1037 = arith.extui %ge3A_1036 : vector<8x128xi1> to vector<8x128xi32>
    %add3A_1038 = arith.addi %add3A_1031, %convert_element_type3A_1037 : vector<8x128xi32>
    %lt3A_1039 = arith.cmpi slt, %add3A_642, %add3A_816 : i32
    %convert_element_type3A_1040 = arith.extui %lt3A_1039 : i1 to i32
    %add3A_1041 = arith.addi %add3A_1034, %convert_element_type3A_1040 : i32
    %ge3A_1042 = vector.broadcast %add3A_671 : i32 to vector<8x128xi32>
    %ge3A_1043 = arith.cmpi sge, %iota3A_969, %ge3A_1042 : vector<8x128xi32>
    %convert_element_type3A_1044 = arith.extui %ge3A_1043 : vector<8x128xi1> to vector<8x128xi32>
    %add3A_1045 = arith.addi %add3A_1038, %convert_element_type3A_1044 : vector<8x128xi32>
    %lt3A_1046 = arith.cmpi slt, %add3A_671, %add3A_816 : i32
    %convert_element_type3A_1047 = arith.extui %lt3A_1046 : i1 to i32
    %add3A_1048 = arith.addi %add3A_1041, %convert_element_type3A_1047 : i32
    %ge3A_1049 = vector.broadcast %add3A_700 : i32 to vector<8x128xi32>
    %ge3A_1050 = arith.cmpi sge, %iota3A_969, %ge3A_1049 : vector<8x128xi32>
    %convert_element_type3A_1051 = arith.extui %ge3A_1050 : vector<8x128xi1> to vector<8x128xi32>
    %add3A_1052 = arith.addi %add3A_1045, %convert_element_type3A_1051 : vector<8x128xi32>
    %lt3A_1053 = arith.cmpi slt, %add3A_700, %add3A_816 : i32
    %convert_element_type3A_1054 = arith.extui %lt3A_1053 : i1 to i32
    %add3A_1055 = arith.addi %add3A_1048, %convert_element_type3A_1054 : i32
    %ge3A_1056 = vector.broadcast %add3A_729 : i32 to vector<8x128xi32>
    %ge3A_1057 = arith.cmpi sge, %iota3A_969, %ge3A_1056 : vector<8x128xi32>
    %convert_element_type3A_1058 = arith.extui %ge3A_1057 : vector<8x128xi1> to vector<8x128xi32>
    %add3A_1059 = arith.addi %add3A_1052, %convert_element_type3A_1058 : vector<8x128xi32>
    %lt3A_1060 = arith.cmpi slt, %add3A_729, %add3A_816 : i32
    %convert_element_type3A_1061 = arith.extui %lt3A_1060 : i1 to i32
    %add3A_1062 = arith.addi %add3A_1055, %convert_element_type3A_1061 : i32
    %ge3A_1063 = vector.broadcast %add3A_758 : i32 to vector<8x128xi32>
    %ge3A_1064 = arith.cmpi sge, %iota3A_969, %ge3A_1063 : vector<8x128xi32>
    %convert_element_type3A_1065 = arith.extui %ge3A_1064 : vector<8x128xi1> to vector<8x128xi32>
    %add3A_1066 = arith.addi %add3A_1059, %convert_element_type3A_1065 : vector<8x128xi32>
    %lt3A_1067 = arith.cmpi slt, %add3A_758, %add3A_816 : i32
    %convert_element_type3A_1068 = arith.extui %lt3A_1067 : i1 to i32
    %add3A_1069 = arith.addi %add3A_1062, %convert_element_type3A_1068 : i32
    %ge3A_1070 = vector.broadcast %add3A_787 : i32 to vector<8x128xi32>
    %ge3A_1071 = arith.cmpi sge, %iota3A_969, %ge3A_1070 : vector<8x128xi32>
    %convert_element_type3A_1072 = arith.extui %ge3A_1071 : vector<8x128xi1> to vector<8x128xi32>
    %add3A_1073 = arith.addi %add3A_1066, %convert_element_type3A_1072 : vector<8x128xi32>
    %lt3A_1074 = arith.cmpi slt, %add3A_787, %add3A_816 : i32
    %convert_element_type3A_1075 = arith.extui %lt3A_1074 : i1 to i32
    %add3A_1076 = arith.addi %add3A_1069, %convert_element_type3A_1075 : i32
    %ge3A_1077 = vector.broadcast %add3A_816 : i32 to vector<8x128xi32>
    %ge3A_1078 = arith.cmpi sge, %iota3A_969, %ge3A_1077 : vector<8x128xi32>
    %convert_element_type3A_1079 = arith.extui %ge3A_1078 : vector<8x128xi1> to vector<8x128xi32>
    %add3A_1080 = arith.addi %add3A_1073, %convert_element_type3A_1079 : vector<8x128xi32>
    %lt3A_1081 = arith.cmpi slt, %add3A_816, %add3A_816 : i32
    %convert_element_type3A_1082 = arith.extui %lt3A_1081 : i1 to i32
    %add3A_1083 = arith.addi %add3A_1076, %convert_element_type3A_1082 : i32
    %min3A = arith.constant 15 : i32
    %min3A_1084 = vector.broadcast %min3A : i32 to vector<8x128xi32>
    %min3A_1085 = arith.minsi %add3A_1080, %min3A_1084 : vector<8x128xi32>
    %min3A_1086 = vector.broadcast %add3A_1083 : i32 to vector<8x128xi32>
    %min3A_1087 = arith.minsi %min3A_1085, %min3A_1086 : vector<8x128xi32>
    %sub3A_1088 = arith.constant 1 : i32
    %sub3A_1089 = arith.subi %add3A_816, %sub3A_1088 : i32
    %min3A_1090 = vector.broadcast %sub3A_1089 : i32 to vector<8x128xi32>
    %min3A_1091 = arith.minsi %iota3A_969, %min3A_1090 : vector<8x128xi32>
    %eq3A_1092 = arith.constant 0 : i32
    %eq3A_1093 = vector.broadcast %eq3A_1092 : i32 to vector<8x128xi32>
    %eq3A_1094 = arith.cmpi eq, %iota3A_968, %eq3A_1093 : vector<8x128xi32>
    %eq3A_1095 = arith.constant 1 : i32
    %eq3A_1096 = vector.broadcast %eq3A_1095 : i32 to vector<8x128xi32>
    %eq3A_1097 = arith.cmpi eq, %iota3A_968, %eq3A_1096 : vector<8x128xi32>
    %jit3A_1098 = arith.constant 0 : i32
    %broadcast_in_dim3A_1099 = vector.broadcast %jit3A_1098 : i32 to vector<8x128xi32>
    %select_n3A_1100 = arith.select %eq3A_1097, %min3A_1091, %broadcast_in_dim3A_1099 : vector<8x128xi1>, vector<8x128xi32>
    %select_n3A_1101 = arith.select %eq3A_1094, %min3A_1087, %select_n3A_1100 : vector<8x128xi1>, vector<8x128xi32>
    %swap3A_1102 = arith.constant 0 : index
    %swap3A_1103 = arith.constant 0 : index
    %swap3A_1104 = vector.load %arg4[%swap3A_1102, %swap3A_1103] : memref<8x128xi32, #tpu.memory_space<vmem>>, vector<8x128xi32>
    tpu.vector_store %arg4[%swap3A_1102, %swap3A_1103], %select_n3A_1101 {strides = array<i32>} : memref<8x128xi32, #tpu.memory_space<vmem>>, vector<8x128xi32>,
    return
  }
}

module attributes {stable_mosaic.version = 14 : i64} {
  func.func @_mlp_body(%arg0: i32, %arg1: memref<32xi32, #tpu.memory_space<smem>>, %arg2: memref<32xi32, #tpu.memory_space<smem>>, %arg3: memref<1024x128xf32, #tpu.memory_space<vmem>>, %arg4: memref<1x23x512xf32, #tpu.memory_space<vmem>>, %arg5: memref<512x512xf32, #tpu.memory_space<vmem>>, %arg6: memref<1x1x1664xf32, #tpu.memory_space<vmem>>, %arg7: memref<1x1x1024xf32, #tpu.memory_space<vmem>>) attributes {dimension_semantics = [#tpu.dimension_semantics<arbitrary>], iteration_bounds = array<i64: 32>, scalar_prefetch = 2 : i64, scratch_operands = 0 : i64, tpu.core_type = #tpu.core_type<tc>, window_params = [{transform_indices = @transform_0, window_bounds = array<i64: 1024, 128>}, {transform_indices = @transform_1, window_bounds = array<i64: 1, 23, 512>}, {transform_indices = @transform_2, window_bounds = array<i64: 512, 512>}, {transform_indices = @transform_3, window_bounds = array<i64: 1, 1, 1664>}, {transform_indices = @transform_4, window_bounds = array<i64: 1, 1, 1024>}]} {
    %get3A = arith.index_cast %arg0 : i32 to index
    %get3A_0 = memref.load %arg2[%get3A] : memref<32xi32, #tpu.memory_space<smem>>
    %eq3A = arith.cmpi eq, %arg0, %get3A_0 : i32
    %convert_element_type3A = arith.extui %eq3A : i1 to i32
    %cond3A = arith.constant 0 : i32
    %cond3A_1 = arith.cmpi ne, %convert_element_type3A, %cond3A : i32
    scf.if %cond3A_1 {
      %get3A_2 = arith.constant 0 : index
      %get3A_3 = arith.constant 0 : index
      %get3A_4 = vector.load %arg3[%get3A_2, %get3A_3] : memref<1024x128xf32, #tpu.memory_space<vmem>>, vector<1024x128xf32>
      %get3A_5 = arith.constant 0 : index
      %get3A_6 = arith.constant 0 : index
      %get3A_7 = arith.constant 0 : index
      %get3A_8 = vector.load %arg6[%get3A_5, %get3A_6, %get3A_7] : memref<1x1x1664xf32, #tpu.memory_space<vmem>>, vector<1x1x1664xf32>
      %get3A_9 = vector.shape_cast %get3A_8 : vector<1x1x1664xf32> to vector<1664xf32>
      %slice3A = vector.extract_strided_slice %get3A_4 {offsets = [0, 0], sizes = [1024, 23], strides = [1, 1]} : vector<1024x128xf32> to vector<1024x23xf32>
      %convert_element_type3A_10 = arith.truncf %slice3A : vector<1024x23xf32> to vector<1024x23xbf16>
      %get3A_11 = arith.constant 0 : index
      %get3A_12 = arith.constant 0 : index
      %get3A_13 = arith.constant 0 : index
      %get3A_14 = vector.load %arg4[%get3A_11, %get3A_12, %get3A_13] : memref<1x23x512xf32, #tpu.memory_space<vmem>>, vector<1x23x512xf32>
      %get3A_15 = vector.shape_cast %get3A_14 : vector<1x23x512xf32> to vector<23x512xf32>
      %convert_element_type3A_16 = arith.truncf %get3A_15 : vector<23x512xf32> to vector<23x512xbf16>
      %dot_general3A = arith.constant dense<0.000000e+00> : vector<1024x512xf32>
      %dot_general3A_17 = tpu.matmul %convert_element_type3A_10, %convert_element_type3A_16, %dot_general3A {dimension_numbers = #tpu.dot_dimension_numbers<[1], [0], [0], [1], [0, 0, 1, 1], [], []>, transpose_lhs_hint = false} : vector<1024x23xbf16>, vector<23x512xbf16>, vector<1024x512xf32> -> vector<1024x512xf32>
      %slice3A_18 = vector.extract_strided_slice %get3A_9 {offsets = [0], sizes = [512], strides = [1]} : vector<1664xf32> to vector<512xf32>
      %broadcast_in_dim3A = vector.shape_cast %slice3A_18 : vector<512xf32> to vector<1x512xf32>
      %add3A = vector.broadcast %broadcast_in_dim3A : vector<1x512xf32> to vector<1024x512xf32>
      %add3A_19 = arith.addf %dot_general3A_17, %add3A : vector<1024x512xf32>
      %max3A = arith.constant 0.000000e+00 : f32
      %max3A_20 = vector.broadcast %max3A : f32 to vector<1024x512xf32>
      %max3A_21 = arith.maximumf %add3A_19, %max3A_20 : vector<1024x512xf32>
      %convert_element_type3A_22 = arith.truncf %max3A_21 : vector<1024x512xf32> to vector<1024x512xbf16>
      %get3A_23 = arith.constant 0 : index
      %get3A_24 = arith.constant 0 : index
      %get3A_25 = vector.load %arg5[%get3A_23, %get3A_24] : memref<512x512xf32, #tpu.memory_space<vmem>>, vector<512x512xf32>
      %convert_element_type3A_26 = arith.truncf %get3A_25 : vector<512x512xf32> to vector<512x512xbf16>
      %dot_general3A_27 = arith.constant dense<0.000000e+00> : vector<1024x512xf32>
      %dot_general3A_28 = tpu.matmul %convert_element_type3A_22, %convert_element_type3A_26, %dot_general3A_27 {dimension_numbers = #tpu.dot_dimension_numbers<[1], [0], [0], [1], [0, 0, 1, 1], [], []>, transpose_lhs_hint = false} : vector<1024x512xbf16>, vector<512x512xbf16>, vector<1024x512xf32> -> vector<1024x512xf32>
      %slice3A_29 = vector.extract_strided_slice %get3A_9 {offsets = [512], sizes = [512], strides = [1]} : vector<1664xf32> to vector<512xf32>
      %broadcast_in_dim3A_30 = vector.shape_cast %slice3A_29 : vector<512xf32> to vector<1x512xf32>
      %add3A_31 = vector.broadcast %broadcast_in_dim3A_30 : vector<1x512xf32> to vector<1024x512xf32>
      %add3A_32 = arith.addf %dot_general3A_28, %add3A_31 : vector<1024x512xf32>
      %max3A_33 = arith.constant 0.000000e+00 : f32
      %max3A_34 = vector.broadcast %max3A_33 : f32 to vector<1024x512xf32>
      %max3A_35 = arith.maximumf %add3A_32, %max3A_34 : vector<1024x512xf32>
      %slice3A_36 = vector.extract_strided_slice %get3A_9 {offsets = [1024], sizes = [512], strides = [1]} : vector<1664xf32> to vector<512xf32>
      %broadcast_in_dim3A_37 = vector.shape_cast %slice3A_36 : vector<512xf32> to vector<1x512xf32>
      %dot_general3A_38 = arith.constant dense<0.000000e+00> : vector<1x1024xf32>
      %dot_general3A_39 = tpu.matmul %broadcast_in_dim3A_37, %max3A_35, %dot_general3A_38 {dimension_numbers = #tpu.dot_dimension_numbers<[1], [1], [0], [0], [0, 0, 1, 0], [], []>, transpose_lhs_hint = false} : vector<1x512xf32>, vector<1024x512xf32>, vector<1x1024xf32> -> vector<1x1024xf32>
      %slice3A_40 = vector.extract_strided_slice %get3A_9 {offsets = [1536], sizes = [1], strides = [1]} : vector<1664xf32> to vector<1xf32>
      %squeeze3A = vector.extract %slice3A_40[0] : f32 from vector<1xf32>
      %add3A_41 = vector.broadcast %squeeze3A : f32 to vector<1x1024xf32>
      %add3A_42 = arith.addf %dot_general3A_39, %add3A_41 : vector<1x1024xf32>
      %reshape3A = vector.shape_cast %add3A_42 : vector<1x1024xf32> to vector<1x1x1024xf32>
      %swap3A = arith.constant 0 : index
      %swap3A_43 = arith.constant 0 : index
      %swap3A_44 = arith.constant 0 : index
      %swap3A_45 = vector.load %arg7[%swap3A, %swap3A_43, %swap3A_44] : memref<1x1x1024xf32, #tpu.memory_space<vmem>>, vector<1x1x1024xf32>
      tpu.vector_store %arg7[%swap3A, %swap3A_43, %swap3A_44], %reshape3A {strides = array<i32>} : memref<1x1x1024xf32, #tpu.memory_space<vmem>>, vector<1x1x1024xf32>,
    } else {
    }
    return
  }
  func.func @transform_0(%arg0: i32, %arg1: memref<32xi32, #tpu.memory_space<smem>>, %arg2: memref<32xi32, #tpu.memory_space<smem>>) -> (i32, i32) {
    %get3A = arith.index_cast %arg0 : i32 to index
    %get3A_0 = memref.load %arg2[%get3A] : memref<32xi32, #tpu.memory_space<smem>>
    %c0_i32 = arith.constant 0 : i32
    %c0_i32_1 = arith.constant 0 : i32
    return %get3A_0, %c0_i32 : i32, i32
  }
  func.func @transform_1(%arg0: i32, %arg1: memref<32xi32, #tpu.memory_space<smem>>, %arg2: memref<32xi32, #tpu.memory_space<smem>>) -> (i32, i32, i32) {
    %get3A = arith.index_cast %arg0 : i32 to index
    %get3A_0 = memref.load %arg1[%get3A] : memref<32xi32, #tpu.memory_space<smem>>
    %c0_i32 = arith.constant 0 : i32
    %c0_i32_1 = arith.constant 0 : i32
    %c0_i32_2 = arith.constant 0 : i32
    return %get3A_0, %c0_i32, %c0_i32_1 : i32, i32, i32
  }
  func.func @transform_2(%arg0: i32, %arg1: memref<32xi32, #tpu.memory_space<smem>>, %arg2: memref<32xi32, #tpu.memory_space<smem>>) -> (i32, i32) {
    %get3A = arith.index_cast %arg0 : i32 to index
    %get3A_0 = memref.load %arg1[%get3A] : memref<32xi32, #tpu.memory_space<smem>>
    %c0_i32 = arith.constant 0 : i32
    %c0_i32_1 = arith.constant 0 : i32
    return %get3A_0, %c0_i32 : i32, i32
  }
  func.func @transform_3(%arg0: i32, %arg1: memref<32xi32, #tpu.memory_space<smem>>, %arg2: memref<32xi32, #tpu.memory_space<smem>>) -> (i32, i32, i32) {
    %get3A = arith.index_cast %arg0 : i32 to index
    %get3A_0 = memref.load %arg1[%get3A] : memref<32xi32, #tpu.memory_space<smem>>
    %c0_i32 = arith.constant 0 : i32
    %c0_i32_1 = arith.constant 0 : i32
    %c0_i32_2 = arith.constant 0 : i32
    return %get3A_0, %c0_i32, %c0_i32_1 : i32, i32, i32
  }
  func.func @transform_4(%arg0: i32, %arg1: memref<32xi32, #tpu.memory_space<smem>>, %arg2: memref<32xi32, #tpu.memory_space<smem>>) -> (i32, i32, i32) {
    %get3A = arith.index_cast %arg0 : i32 to index
    %get3A_0 = memref.load %arg2[%get3A] : memref<32xi32, #tpu.memory_space<smem>>
    %c0_i32 = arith.constant 0 : i32
    %c0_i32_1 = arith.constant 0 : i32
    %c0_i32_2 = arith.constant 0 : i32
    return %get3A_0, %c0_i32, %c0_i32_1 : i32, i32, i32
  }
}

</mosaic_0001>

<sc_bundles>
// kernel: kernel.6.cloned.1.call-start
scs
__scs_entry_jumppad:
0x0: {  	(pc) =	sbr.rel $0x88, $3  }
0x1: {  	(tag) =	ssettag $0x0;
	lr =	simm.s32 $0x1  }
0x2: {  	[smem:$0x3F98] =	sst lr;
	_ =	strace $0xD0000000  }
0x3: {  	_ = 	snop  }
0x4: {  	_ = 	snop  }
0x5: {  	_ = 	snop  }
0x6: {  	_ = 	snop  }
0x7: {  	_ = 	snop  }
__scs_overlays_trampoline_lowered:
0x8: {  	[smem:$0x3FA7] =	sst s0  }
0x9: {  	[smem:$0x3FA8] =	sst s1  }
0xa: {  	[smem:$0x3FA9] =	sst s2  }
0xb: {  	[smem:$0x3FAA] =	sst s3  }
0xc: {  	[smem:$0x3FAB] =	sst s4  }
0xd: {  	[smem:$0x3FAC] =	sst s5  }
0xe: {  	[smem:$0x3FAD] =	sst s6  }
0xf: {  	[smem:$0x3FAE] =	sst s7  }
0x10: {  	[smem:$0x3FAF] =	sst s8  }
0x11: {  	[smem:$0x3FB0] =	sst s9;
	s0 =	simm.s32 @!p0 $0x0  }
0x12: {  	s1 =	sld [smem:$0x3F96];
	s0 =	simm.s32 @p0 $0x1  }
0x13: {  	[smem:$0x3FB1] =	sst s0;
	s0 =	simm.s32 @!p1 $0x0  }
0x14: {  	s2 =	sld [smem:$0x3F95];
	s0 =	simm.s32 @p1 $0x1  }
0x15: {  	[smem:$0x3FB2] =	sst s0;
	s0 =	simm.s32 @!p2 $0x0  }
0x16: {  	s3 =	sld [smem:$0x3FDB];
	s0 =	simm.s32 @p2 $0x1  }
0x17: {  	s4 =	simm.s32 $0x1BF5;
	[smem:$0x3FB4] =	sst s0  }
0x18: {  	s0 =	sld [smem:$0x3F97];
	_ =	swait.ge [sflag:s4], $0x0  }
0x19: {  	s7 =	sld [smem:$0x3F98]  }
0x1a: {  	s8 =	sadd.s32 $0xFFFFE003, lr  }
0x1b: {  	s9 =	sadd.s32 $0xFFFFFEF7, lr;
	s5 =	simm.s32 $0xFFFFFFFF;
	p2 =	slt.u32 s8, $0xFFFFF086  }
0x1c: {  	p1 =	slt.u32 s9, $0xF7A;
	s5 =	simm.s32 @!p2 $0x0  }
0x1d: {  	s5 =	simm.s32 @p1 $0x1;
	p0 =	seq.s32 s7, s2  }
0x1e: {  	s7 =	smul.u32 @!p0 $0xF7A, s2;
	p2 =	seq.s32 @!p0 s5, $0x0  }
0x1f: {  	s9 =	smul.u32 $0xF7A, s1;
	s8 =	simm.s32 @!p0 $0x1BF5;
	p2 =	por !p2, p0  }
0x20: {  	[sflag:s8] =	ssyncset.s32 @!p0 $0xFFFFF086;
	s6 =	sadd.s32 @!p0 s3, s7;
	s7 =	simm.s32 @!p0 $0x108  }
0x21: {  	s3 =	sadd.s32 s3, s9;
	s6 =	sadd.s32 @!p0 $0x88, s6;
	s7 =	simm.s32 @p2 $0x1082  }
0x22: {  	[simem:s7], [sflag:s8] =	dma.local @!p0 [hbm:s6], $0xF7A  }
0x23: {  	s9 =	sor.u32 $0xD0000000, s2;
	s6 =	simm.s32 $0x108;
	_ =	swait.ge @!p0 [sflag:s8], $0x0  }
0x24: {  	s3 =	sadd.s32 $0x88, s3;
	s6 =	simm.s32 @!p1 $0x1082;
	[sflag:s4] =	ssyncset.s32 $0xFFFFF086  }
0x25: {  	[simem:s6], [sflag:s4] =	dma.local [hbm:s3], $0xF7A  }
0x26: {  	[smem:$0x3F98] =	sst s1;
	(tag) =	ssettag s2;
	_ =	strace s9  }
0x27: {  	s1 =	sld [smem:$0x3FA8]  }
0x28: {  	s2 =	sld [smem:$0x3FA9]  }
0x29: {  	s4 =	sld [smem:$0x3FAB]  }
0x2a: {  	p0 =	seq.s32 s5, $0x0;
	s5 =	sld [smem:$0x3FAC]  }
0x2b: {  	s6 =	sld [smem:$0x3FAD]  }
0x2c: {  	s7 =	sld [smem:$0x3FAE]  }
0x2d: {  	s3 =	simm.s32 $0x108;
	s8 =	sld [smem:$0x3FAF]  }
0x2e: {  	s3 =	simm.s32 @!p0 $0x1082;
	s9 =	sld [smem:$0x3FB0]  }
0x2f: {  	lr =	sadd.s32 s0, s3;
	s0 =	sld [smem:$0x3FA7]  }
0x30: {  	s3 =	sld [smem:$0x3FAA]  }
0x31: {  	[smem:$0x3FB3] =	sst s10  }
0x32: {  	s10 =	sld [smem:$0x3FB1];
	_ =	sdelay $0x3  }
0x33: {  	p0 =	seq.s32 s10, $0x1;
	s10 =	sld [smem:$0x3FB3];
	_ =	sdelay $0x3  }
0x34: {  	[smem:$0x3FB3] =	sst s10  }
0x35: {  	s10 =	sld [smem:$0x3FB2];
	_ =	sdelay $0x3  }
0x36: {  	p1 =	seq.s32 s10, $0x1;
	s10 =	sld [smem:$0x3FB3];
	_ =	sdelay $0x3  }
0x37: {  	[smem:$0x3FB3] =	sst s10  }
0x38: {  	s10 =	sld [smem:$0x3FB4]  }
0x39: {  	_ = 	snop;
	(pc) =	sbr.ind lr, $3  }
0x3a: {  	_ = 	snop  }
0x3b: {  	_ = 	snop  }
0x3c: {  	p2 =	seq.s32 s10, $0x1;
	s10 =	sld [smem:$0x3FB3]  }
0x3d: {  	_ =	shalt  }
0x3e: {  	_ =	shalt  }
0x3f: {  	_ =	shalt  }
0x40: {  	_ =	shalt  }
0x41: {  	_ =	shalt  }
0x42: {  	_ =	shalt  }
0x43: {  	_ =	shalt  }
0x44: {  	_ =	shalt  }
0x45: {  	_ =	shalt  }
0x46: {  	_ =	shalt  }
0x47: {  	_ =	shalt  }
0x48: {  	_ =	shalt  }
0x49: {  	_ =	shalt  }
0x4a: {  	_ =	shalt  }
0x4b: {  	_ =	shalt  }
0x4c: {  	_ =	shalt  }
0x4d: {  	_ =	shalt  }
0x4e: {  	_ =	shalt  }
0x4f: {  	_ =	shalt  }
0x50: {  	_ =	shalt  }
0x51: {  	_ =	shalt  }
0x52: {  	_ =	shalt  }
0x53: {  	_ =	shalt  }
0x54: {  	_ =	shalt  }
0x55: {  	_ =	shalt  }
0x56: {  	_ =	shalt  }
0x57: {  	_ =	shalt  }
0x58: {  	_ =	shalt  }
0x59: {  	_ =	shalt  }
0x5a: {  	_ =	shalt  }
0x5b: {  	_ =	shalt  }
0x5c: {  	_ =	shalt  }
0x5d: {  	_ =	shalt  }
0x5e: {  	_ =	shalt  }
0x5f: {  	_ =	shalt  }
0x60: {  	_ =	shalt  }
0x61: {  	_ =	shalt  }
0x62: {  	_ =	shalt  }
0x63: {  	_ =	shalt  }
0x64: {  	_ =	shalt  }
0x65: {  	_ =	shalt  }
0x66: {  	_ =	shalt  }
0x67: {  	_ =	shalt  }
0x68: {  	_ =	shalt  }
0x69: {  	_ =	shalt  }
0x6a: {  	_ =	shalt  }
0x6b: {  	_ =	shalt  }
0x6c: {  	_ =	shalt  }
0x6d: {  	_ =	shalt  }
0x6e: {  	_ =	shalt  }
0x6f: {  	_ =	shalt  }
0x70: {  	_ =	shalt  }
0x71: {  	_ =	shalt  }
0x72: {  	_ =	shalt  }
0x73: {  	_ =	shalt  }
0x74: {  	_ =	shalt  }
0x75: {  	_ =	shalt  }
0x76: {  	_ =	shalt  }
0x77: {  	_ =	shalt  }
0x78: {  	_ =	shalt  }
0x79: {  	_ =	shalt  }
0x7a: {  	_ =	shalt  }
0x7b: {  	_ =	shalt  }
0x7c: {  	_ =	shalt  }
0x7d: {  	_ =	shalt  }
0x7e: {  	_ =	shalt  }
0x7f: {  	_ =	shalt  }
0x80: {  	_ =	shalt  }
0x81: {  	_ =	shalt  }
0x82: {  	_ =	shalt  }
0x83: {  	_ =	shalt  }
0x84: {  	_ =	shalt  }
0x85: {  	_ =	shalt  }
0x86: {  	_ =	shalt  }
0x87: {  	_ =	shalt  }
.Lfunc_end0:
.L_simem_size_0:
called_computation_lowered:
.L_overlay_start_0:
0x88: {  	s2 =	sld [smem:$0x3FD9]  }
0x89: {  	s3 =	sld [smem:$0x3FFE];
	_ =	sdelay $0x1  }
0x8a: {  	s1 =	srdreg.scid  }
0x8b: {  	s0 =	sand.u32 $0x1, s1  }
0x8c: {  	s17 =	sshll.u32 s0, $0xA;
	s2 =	sadd.s32 s3, s2  }
0x8d: {  	s2 =	sadd.s32 s2, s17  }
0x8e: {  	[smem:$0x3FBF] =	sst s2  }
0x8f: {  	_ = 	snop  }
0x90: {  	s2 =	sld [smem:$0x3FD0];
	(tm) =	ssettm $0x1  }
0x91: {  	s18 =	sld [smem:$0x3FFB];
	_ =	sdelay $0x3  }
0x92: {  	_ =	strace s18  }
0x93: {  	s3 =	sld [smem:$0x3FFC];
	_ =	sdelay $0x3  }
0x94: {  	_ =	strace s3  }
0x95: {  	s3 =	sld [smem:$0x3FFD];
	_ =	sdelay $0x3  }
0x96: {  	_ =	strace s3  }
0x97: {  	_ =	strace $0x8FFFFFFF  }
0x98: {  	s19 =	sld [smem:$0x3FDB];
	_ =	sdelay $0x1  }
0x99: {  	s4 =	simm.s32 $_scs_section_size  }
0x9a: {  	s5 =	simm.s32 $_size__tile_overlayer_lowered;
	s6 =	simm.s32 $_tile_overlayer_lowered  }
0x9b: {  	s22 =	simm.s32 $0x1BFF;
	s21 =	sshll.u32 s6, $0x1;
	s3 =	sadd.s32 s4, s19  }
0x9c: {  	s7 =	simm.s32 $0x0;
	s20 =	sshll.u32 s5, $0x1;
	s5 =	sadd.s32 s21, s3  }
0x9d: {  	[timem:s7], [sflag:s22] =	dma.local [hbm:s5], s20  }
0x9e: {  	_ =	swait.ge [sflag:s22], s20  }
0x9f: {  	s4 =	ssub.s32 $0x0, s20;
	[sflag:s22] =	ssyncset.done $0x0  }
0xa0: {  	[sflag:s22] =	ssyncadd.s32 s4;
	_ =	sdelay $0x1  }
0xa1: {  	s23 =	simm.s32 $0x1B8B  }
0xa2: {  	_ =	swait.ge [sflag:s23], $0x1  }
0xa3: {  	[sflag:s23] =	ssyncset.done $0x0  }
0xa4: {  	s25 =	simm.s32 $0x1B8E;
	s24 =	sld [smem:$0x3FFE];
	[sflag:s23] =	ssyncadd.s32 $0xFFFFFFFF  }
0xa5: {  	s26 =	simm.s32 $execute0_lowered;
	[smem:$0x3FD2] =	sst s25  }
0xa6: {  	s5 =	sshll.u32 s26, $0x1;
	_ =	strace $0x80000046;
	[dreg:$0x1] =	wrdreg $0xFFFFFFFF  }
0xa7: {  	s28 =	simm.s32 $_size_execute0_lowered;
	s3 =	sadd.s32 s3, s5;
	[dreg:$0x0] =	wrdreg $0x0  }
0xa8: {  	s5 =	sshll.u32 s28, $0x1;
	[dreg:$0x2] =	wrdreg s3  }
0xa9: {  	[dreg:$0x3] =	wrdreg s5  }
0xaa: {  	[dreg:$0x4] =	wrdreg $0xC0  }
0xab: {  	_ =	task [dreg:s7], $0x5FFFF  }
0xac: {  	[dreg:$0x1] =	wrdreg $0xFFFFFFFF  }
0xad: {  	[dreg:$0x0] =	wrdreg $0x60  }
0xae: {  	[dreg:$0x2] =	wrdreg s2  }
0xaf: {  	[dreg:$0x3] =	wrdreg s24  }
0xb0: {  	[dreg:$0x4] =	wrdreg $0x9  }
0xb1: {  	_ =	task.clear_ibuf [dreg:s7], $0x5FFFF;
	_ =	strace $0x90000046  }
0xb2: {  	s29 =	simm.s32 $0x9;
	_ =	strace $0x80000048  }
0xb3: {  	_ =	swait.ge [sflag:s29], $0x1  }
0xb4: {  	[sflag:s29] =	ssyncadd.s32 $0xFFFFFFFF  }
0xb5: {  	_ =	strace $0x90000048  }
0xb6: {  	_ =	sfence  }
0xb7: {  	s30 =	sld [smem:$0x0];
	_ =	sdelay $0x2  }
0xb8: {  	s31 =	sshll.u32 s1, $0xD;
	s1 =	sshrl.u32 s1, $0x2  }
0xb9: {  	s3 =	sand.u32 $0x4000, s31;
	s1 =	sadd.s32 s1, s30  }
0xba: {  	s0 =	sor.u32 s3, s0;
	s1 =	sshll.u32 s1, $0x11  }
0xbb: {  	s0 =	sor.u32 s1, s0  }
0xbc: {  	s0 =	sadd.s32 $0x8F2B, s0  }
0xbd: {  	[sflag:s0] =	ssyncadd.remote.s32 $0x1  }
0xbe: {  	_ =	sfence.sel $0xFFFF  }
0xbf: {  	[dreg:$0x0] =	wrdreg $0xFFFFFFFF;
	(pc) =	sbr.abs _section_cstart, $3  }
0xc0: {  	[dreg:$0x1] =	wrdreg $0xFFFFFFFF  }
0xc1: {  	_ =	task.clear_ibuf [dreg:s7], $0x2FFFF;
	_ =	strace $0x9FFFFFFF  }
0xc2: {  	(tm) =	ssettm $0x7FFFFFFF  }
0xc3: {  	_ =	shalt  }
tec
execute0_lowered:
.L_overlay_start_1:
0x0: {  	(tag) =	ssettag $0x1  }
0x1: {  	s1 =	srdreg.scid  }
0x2: {  	s3 =	rddreg [dreg:$0x0];
	s0 =	stileid.u32;
	s15 =	sand.u32 $0x1, s1  }
0x3: {  	s7 =	rddreg [dreg:$0x1];
	s4 =	sshll.u32 s0, $0xA;
	s5 =	sshll.u32 s15, $0x9  }
0x4: {  	s2 =	simm.s32 $0x0;
	s1 =	rddreg [dreg:$0x2];
	s5 =	sor.u32 s5, s4  }
0x5: {  	[smem:$0x7FF] =	sst s2;
	s4 =	sshrl.u32 s5, $0x3  }
0x6: {  	_ =	strace $0x80000047;
	s3 =	sadd.s32 s3, s4;
	s4 =	simm.s32 $0x2  }
0x7: {  	[tilespmem:s2], [sflag:$0x2] =	stream.linear.gather [hbm4b:s3+s2], $0x200, $0x38;
	[tilespmem:$0x10200] =	vst v63  }
0x8: {  	s5 =	sshll.u32 s5, $0x4;
	_ =	swait.ge [sflag:s4], $0x200  }
0x9: {  	s5 =	sadd.s32 s5, s7;
	[sflag:s4] =	ssyncset.done $0x0  }
0xa: {  	s6 =	simm.s32 $0x200;
	s5 =	sadd.s32 $0x2600, s5;
	[sflag:s4] =	ssyncadd.s32 $0xFFFFFE00  }
0xb: {  	[tilespmem:s6], [sflag:$0x2] =	stream.linear.gather [hbm4b:s5+s2], $0x10000, $0x38;
	[tilespmem:$0x10200] =	vst v63  }
0xc: {  	_ =	swait.ge [sflag:s4], $0x10000  }
0xd: {  	[sflag:s4] =	ssyncset.done $0x0  }
0xe: {  	s8 =	simm.s32 $0x80;
	s7 =	sadd.s32 $0x42600, s7;
	[sflag:s4] =	ssyncadd.s32 $0xFFFF0000  }
0xf: {  	[hbm4b:s7+s8] =	stream.indirect.scatter [tilespmem:s6], [sflag:$0x1], $0x80, s2, s8, $0xb8;
	[tilespmem:$0x10200] =	vst v63  }
0x10: {  	s9 =	simm.s32 $0x4200  }
0x11: {  	[hbm4b:s7+s8] =	stream.indirect.scatter [tilespmem:s9], [sflag:$0x1], $0x80, s8, s8, $0xb8;
	[tilespmem:$0x10200] =	vst v63  }
0x12: {  	s10 =	simm.s32 $0x100;
	s11 =	simm.s32 $0x8200  }
0x13: {  	[hbm4b:s7+s8] =	stream.indirect.scatter [tilespmem:s11], [sflag:$0x1], $0x80, s10, s8, $0xb8;
	[tilespmem:$0x10200] =	vst v63  }
0x14: {  	s12 =	simm.s32 $0x180;
	s14 =	simm.s32 $0xC200;
	s13 =	simm.s32 $0x1  }
0x15: {  	[hbm4b:s7+s8] =	stream.indirect.scatter [tilespmem:s14], [sflag:$0x1], $0x80, s12, s8, $0xb8;
	[tilespmem:$0x10200] =	vst v63  }
0x16: {  	_ =	swait.ge [sflag:s13], $0x4000  }
0x17: {  	s15 =	ssub.s32 $0x2, s15;
	[sflag:s13] =	ssyncset.done $0x0  }
0x18: {  	s16 =	sshrl.u32 s15, $0x1;
	[sflag:s13] =	ssyncadd.s32 $0xFFFFC000  }
0x19: {  	s15 =	ssub.s32 s15, s16;
	_ =	swait.ge [sflag:s13], $0x4000  }
0x1a: {  	s15 =	smax.u32 s15, $0x1;
	[sflag:s13] =	ssyncset.done $0x0  }
0x1b: {  	p0 =	sne.s32 s15, $0x1;
	[sflag:s13] =	ssyncadd.s32 $0xFFFFC000  }
.Ltmp0:
0x1c: {  	_ =	swait.ge [sflag:s13], $0x4000;
	(pc) =	sbr.rel @!p0 .LBB2_2-.Ltmp0, $4  }
0x1d: {  	[sflag:s13] =	ssyncset.done $0x0  }
0x1e: {  	[sflag:s13] =	ssyncadd.s32 $0xFFFFC000  }
0x1f: {  	_ =	swait.ge [sflag:s13], $0x4000  }
0x20: {  	s15 =	sadd.s32 $0xFFFFFFFF, s15;
	[sflag:s13] =	ssyncset.done $0x0  }
.LBB2_1:
0x21: {  	p0 =	sne.s32 s15, $0x1;
	s15 =	sadd.s32 $0xFFFFFFFF, s15;
	[sflag:s13] =	ssyncadd.s32 $0xFFFFC000  }
0x22: {  	[tilespmem:s2], [sflag:$0x2] =	stream.linear.gather [hbm4b:s3+s2], $0x200, $0x38;
	[tilespmem:$0x10200] =	vst v63  }
0x23: {  	_ =	swait.ge [sflag:s4], $0x200  }
0x24: {  	[sflag:s4] =	ssyncset.done $0x0  }
0x25: {  	[sflag:s4] =	ssyncadd.s32 $0xFFFFFE00  }
0x26: {  	[tilespmem:s6], [sflag:$0x2] =	stream.linear.gather [hbm4b:s5+s2], $0x10000, $0x38;
	[tilespmem:$0x10200] =	vst v63  }
0x27: {  	_ =	swait.ge [sflag:s4], $0x10000  }
0x28: {  	[sflag:s4] =	ssyncset.done $0x0  }
0x29: {  	[sflag:s4] =	ssyncadd.s32 $0xFFFF0000  }
0x2a: {  	[hbm4b:s7+s8] =	stream.indirect.scatter [tilespmem:s6], [sflag:$0x1], $0x80, s2, s8, $0xb8;
	[tilespmem:$0x10200] =	vst v63  }
0x2b: {  	_ = 	snop  }
0x2c: {  	[hbm4b:s7+s8] =	stream.indirect.scatter [tilespmem:s9], [sflag:$0x1], $0x80, s8, s8, $0xb8;
	[tilespmem:$0x10200] =	vst v63  }
0x2d: {  	_ = 	snop  }
0x2e: {  	[hbm4b:s7+s8] =	stream.indirect.scatter [tilespmem:s11], [sflag:$0x1], $0x80, s10, s8, $0xb8;
	[tilespmem:$0x10200] =	vst v63  }
0x2f: {  	_ = 	snop  }
0x30: {  	[hbm4b:s7+s8] =	stream.indirect.scatter [tilespmem:s14], [sflag:$0x1], $0x80, s12, s8, $0xb8;
	[tilespmem:$0x10200] =	vst v63  }
0x31: {  	_ =	swait.ge [sflag:s13], $0x4000  }
0x32: {  	[sflag:s13] =	ssyncset.done $0x0  }
0x33: {  	[sflag:s13] =	ssyncadd.s32 $0xFFFFC000  }
0x34: {  	_ =	swait.ge [sflag:s13], $0x4000  }
0x35: {  	[sflag:s13] =	ssyncset.done $0x0  }
0x36: {  	[sflag:s13] =	ssyncadd.s32 $0xFFFFC000  }
.Ltmp1:
0x37: {  	_ =	swait.ge [sflag:s13], $0x4000;
	(pc) =	sbr.rel @p0 .LBB2_1-.Ltmp1, $4  }
0x38: {  	[sflag:s13] =	ssyncset.done $0x0  }
0x39: {  	[sflag:s13] =	ssyncadd.s32 $0xFFFFC000  }
0x3a: {  	_ =	swait.ge [sflag:s13], $0x4000  }
0x3b: {  	[sflag:s13] =	ssyncset.done $0x0  }
.LBB2_2:
0x3c: {  	[sflag:s13] =	ssyncadd.s32 $0xFFFFC000  }
0x3d: {  	_ =	sfence.sel $0x180000  }
0x3e: {  	[bflag:$0x0] =	sbarrier.arrive $0xFFFF  }
0x3f: {  	p0 =	sne.s32 s0, $0x0;
	_ =	strace $0x90000047  }
0x40: {  	s0 =	sadd.s32 @!p0 $0x100000, s1;
	[bflag:$0x2] =	sbarrier.arrive $0xFFFF  }
0x41: {  	[sflag:s0] =	ssyncadd.tile.s32 @!p0 $0x1;
	_ =	shalt  }
.Lfunc_end2:
_tile_overlayer_lowered:
.L_overlay_start_2:
0x42: {  	(tag) =	ssettag $0x2  }
0x43: {  	s0 =	rddreg [dreg:$0x0];
	s2 =	stileid.u32  }
0x44: {  	s1 =	rddreg [dreg:$0x1];
	p0 =	sne.s32 s2, $0x0  }
0x45: {  	s3 =	rddreg [dreg:$0x2];
	[bflag:$0x3] =	sbarrier.arrive $0xFFFF;
	s2 =	simm.s32 @!p0 $0x1C02  }
0x46: {  	[timem:s3], [sflag:s2] =	dma.local @!p0 [hbm:s0], s1  }
0x47: {  	s0 =	simm.s32 @!p0 $0x2  }
0x48: {  	_ =	swait.ge @!p0 [sflag:s0], s1  }
0x49: {  	s1 =	ssub.s32 @!p0 $0x0, s1;
	[sflag:s0] =	ssyncset.done @!p0 $0x0  }
0x4a: {  	[sflag:s0] =	ssyncadd.s32 @!p0 s1  }
0x4b: {  	[bflag:$0x3] =	sbarrier.arrive $0xFFFF  }
0x4c: {  	_ =	shalt  }

// kernel: kernel.9.cloned.1.call-start
scs
__scs_entry_jumppad:
0x0: {  	(pc) =	sbr.rel $0x88, $3  }
0x1: {  	(tag) =	ssettag $0x0;
	lr =	simm.s32 $0x1  }
0x2: {  	[smem:$0x3F98] =	sst lr;
	_ =	strace $0xD0000000  }
0x3: {  	_ = 	snop  }
0x4: {  	_ = 	snop  }
0x5: {  	_ = 	snop  }
0x6: {  	_ = 	snop  }
0x7: {  	_ = 	snop  }
__scs_overlays_trampoline_lowered:
0x8: {  	[smem:$0x3FA7] =	sst s0  }
0x9: {  	[smem:$0x3FA8] =	sst s1  }
0xa: {  	[smem:$0x3FA9] =	sst s2  }
0xb: {  	[smem:$0x3FAA] =	sst s3  }
0xc: {  	[smem:$0x3FAB] =	sst s4  }
0xd: {  	[smem:$0x3FAC] =	sst s5  }
0xe: {  	[smem:$0x3FAD] =	sst s6  }
0xf: {  	[smem:$0x3FAE] =	sst s7  }
0x10: {  	[smem:$0x3FAF] =	sst s8  }
0x11: {  	[smem:$0x3FB0] =	sst s9;
	s0 =	simm.s32 @!p0 $0x0  }
0x12: {  	s1 =	sld [smem:$0x3F96];
	s0 =	simm.s32 @p0 $0x1  }
0x13: {  	[smem:$0x3FB1] =	sst s0;
	s0 =	simm.s32 @!p1 $0x0  }
0x14: {  	s2 =	sld [smem:$0x3F95];
	s0 =	simm.s32 @p1 $0x1  }
0x15: {  	[smem:$0x3FB2] =	sst s0;
	s0 =	simm.s32 @!p2 $0x0  }
0x16: {  	s3 =	sld [smem:$0x3FDB];
	s0 =	simm.s32 @p2 $0x1  }
0x17: {  	s4 =	simm.s32 $0x1BF5;
	[smem:$0x3FB4] =	sst s0  }
0x18: {  	s0 =	sld [smem:$0x3F97];
	_ =	swait.ge [sflag:s4], $0x0  }
0x19: {  	s7 =	sld [smem:$0x3F98]  }
0x1a: {  	s8 =	sadd.s32 $0xFFFFE003, lr  }
0x1b: {  	s9 =	sadd.s32 $0xFFFFFEF7, lr;
	s5 =	simm.s32 $0xFFFFFFFF;
	p2 =	slt.u32 s8, $0xFFFFF086  }
0x1c: {  	p1 =	slt.u32 s9, $0xF7A;
	s5 =	simm.s32 @!p2 $0x0  }
0x1d: {  	s5 =	simm.s32 @p1 $0x1;
	p0 =	seq.s32 s7, s2  }
0x1e: {  	s7 =	smul.u32 @!p0 $0xF7A, s2;
	p2 =	seq.s32 @!p0 s5, $0x0  }
0x1f: {  	s9 =	smul.u32 $0xF7A, s1;
	s8 =	simm.s32 @!p0 $0x1BF5;
	p2 =	por !p2, p0  }
0x20: {  	[sflag:s8] =	ssyncset.s32 @!p0 $0xFFFFF086;
	s6 =	sadd.s32 @!p0 s3, s7;
	s7 =	simm.s32 @!p0 $0x108  }
0x21: {  	s3 =	sadd.s32 s3, s9;
	s6 =	sadd.s32 @!p0 $0x88, s6;
	s7 =	simm.s32 @p2 $0x1082  }
0x22: {  	[simem:s7], [sflag:s8] =	dma.local @!p0 [hbm:s6], $0xF7A  }
0x23: {  	s9 =	sor.u32 $0xD0000000, s2;
	s6 =	simm.s32 $0x108;
	_ =	swait.ge @!p0 [sflag:s8], $0x0  }
0x24: {  	s3 =	sadd.s32 $0x88, s3;
	s6 =	simm.s32 @!p1 $0x1082;
	[sflag:s4] =	ssyncset.s32 $0xFFFFF086  }
0x25: {  	[simem:s6], [sflag:s4] =	dma.local [hbm:s3], $0xF7A  }
0x26: {  	[smem:$0x3F98] =	sst s1;
	(tag) =	ssettag s2;
	_ =	strace s9  }
0x27: {  	s1 =	sld [smem:$0x3FA8]  }
0x28: {  	s2 =	sld [smem:$0x3FA9]  }
0x29: {  	s4 =	sld [smem:$0x3FAB]  }
0x2a: {  	p0 =	seq.s32 s5, $0x0;
	s5 =	sld [smem:$0x3FAC]  }
0x2b: {  	s6 =	sld [smem:$0x3FAD]  }
0x2c: {  	s7 =	sld [smem:$0x3FAE]  }
0x2d: {  	s3 =	simm.s32 $0x108;
	s8 =	sld [smem:$0x3FAF]  }
0x2e: {  	s3 =	simm.s32 @!p0 $0x1082;
	s9 =	sld [smem:$0x3FB0]  }
0x2f: {  	lr =	sadd.s32 s0, s3;
	s0 =	sld [smem:$0x3FA7]  }
0x30: {  	s3 =	sld [smem:$0x3FAA]  }
0x31: {  	[smem:$0x3FB3] =	sst s10  }
0x32: {  	s10 =	sld [smem:$0x3FB1];
	_ =	sdelay $0x3  }
0x33: {  	p0 =	seq.s32 s10, $0x1;
	s10 =	sld [smem:$0x3FB3];
	_ =	sdelay $0x3  }
0x34: {  	[smem:$0x3FB3] =	sst s10  }
0x35: {  	s10 =	sld [smem:$0x3FB2];
	_ =	sdelay $0x3  }
0x36: {  	p1 =	seq.s32 s10, $0x1;
	s10 =	sld [smem:$0x3FB3];
	_ =	sdelay $0x3  }
0x37: {  	[smem:$0x3FB3] =	sst s10  }
0x38: {  	s10 =	sld [smem:$0x3FB4]  }
0x39: {  	_ = 	snop;
	(pc) =	sbr.ind lr, $3  }
0x3a: {  	_ = 	snop  }
0x3b: {  	_ = 	snop  }
0x3c: {  	p2 =	seq.s32 s10, $0x1;
	s10 =	sld [smem:$0x3FB3]  }
0x3d: {  	_ =	shalt  }
0x3e: {  	_ =	shalt  }
0x3f: {  	_ =	shalt  }
0x40: {  	_ =	shalt  }
0x41: {  	_ =	shalt  }
0x42: {  	_ =	shalt  }
0x43: {  	_ =	shalt  }
0x44: {  	_ =	shalt  }
0x45: {  	_ =	shalt  }
0x46: {  	_ =	shalt  }
0x47: {  	_ =	shalt  }
0x48: {  	_ =	shalt  }
0x49: {  	_ =	shalt  }
0x4a: {  	_ =	shalt  }
0x4b: {  	_ =	shalt  }
0x4c: {  	_ =	shalt  }
0x4d: {  	_ =	shalt  }
0x4e: {  	_ =	shalt  }
0x4f: {  	_ =	shalt  }
0x50: {  	_ =	shalt  }
0x51: {  	_ =	shalt  }
0x52: {  	_ =	shalt  }
0x53: {  	_ =	shalt  }
0x54: {  	_ =	shalt  }
0x55: {  	_ =	shalt  }
0x56: {  	_ =	shalt  }
0x57: {  	_ =	shalt  }
0x58: {  	_ =	shalt  }
0x59: {  	_ =	shalt  }
0x5a: {  	_ =	shalt  }
0x5b: {  	_ =	shalt  }
0x5c: {  	_ =	shalt  }
0x5d: {  	_ =	shalt  }
0x5e: {  	_ =	shalt  }
0x5f: {  	_ =	shalt  }
0x60: {  	_ =	shalt  }
0x61: {  	_ =	shalt  }
0x62: {  	_ =	shalt  }
0x63: {  	_ =	shalt  }
0x64: {  	_ =	shalt  }
0x65: {  	_ =	shalt  }
0x66: {  	_ =	shalt  }
0x67: {  	_ =	shalt  }
0x68: {  	_ =	shalt  }
0x69: {  	_ =	shalt  }
0x6a: {  	_ =	shalt  }
0x6b: {  	_ =	shalt  }
0x6c: {  	_ =	shalt  }
0x6d: {  	_ =	shalt  }
0x6e: {  	_ =	shalt  }
0x6f: {  	_ =	shalt  }
0x70: {  	_ =	shalt  }
0x71: {  	_ =	shalt  }
0x72: {  	_ =	shalt  }
0x73: {  	_ =	shalt  }
0x74: {  	_ =	shalt  }
0x75: {  	_ =	shalt  }
0x76: {  	_ =	shalt  }
0x77: {  	_ =	shalt  }
0x78: {  	_ =	shalt  }
0x79: {  	_ =	shalt  }
0x7a: {  	_ =	shalt  }
0x7b: {  	_ =	shalt  }
0x7c: {  	_ =	shalt  }
0x7d: {  	_ =	shalt  }
0x7e: {  	_ =	shalt  }
0x7f: {  	_ =	shalt  }
0x80: {  	_ =	shalt  }
0x81: {  	_ =	shalt  }
0x82: {  	_ =	shalt  }
0x83: {  	_ =	shalt  }
0x84: {  	_ =	shalt  }
0x85: {  	_ =	shalt  }
0x86: {  	_ =	shalt  }
0x87: {  	_ =	shalt  }
.Lfunc_end0:
.L_simem_size_0:
called_computation.1_lowered:
.L_overlay_start_0:
0x88: {  	s2 =	sld [smem:$0x3FD9]  }
0x89: {  	s3 =	sld [smem:$0x3FFE];
	_ =	sdelay $0x1  }
0x8a: {  	s1 =	srdreg.scid  }
0x8b: {  	s0 =	sand.u32 $0x1, s1  }
0x8c: {  	s17 =	sshll.u32 s0, $0xA;
	s2 =	sadd.s32 s3, s2  }
0x8d: {  	s2 =	sadd.s32 s2, s17  }
0x8e: {  	[smem:$0x3FBF] =	sst s2  }
0x8f: {  	_ = 	snop  }
0x90: {  	s2 =	sld [smem:$0x3FD0];
	(tm) =	ssettm $0x1  }
0x91: {  	s18 =	sld [smem:$0x3FFB];
	_ =	sdelay $0x3  }
0x92: {  	_ =	strace s18  }
0x93: {  	s3 =	sld [smem:$0x3FFC];
	_ =	sdelay $0x3  }
0x94: {  	_ =	strace s3  }
0x95: {  	s3 =	sld [smem:$0x3FFD];
	_ =	sdelay $0x3  }
0x96: {  	_ =	strace s3  }
0x97: {  	_ =	strace $0x8FFFFFFF  }
0x98: {  	s19 =	sld [smem:$0x3FDB];
	_ =	sdelay $0x1  }
0x99: {  	s4 =	simm.s32 $_scs_section_size  }
0x9a: {  	s5 =	simm.s32 $_size__tile_overlayer_lowered;
	s6 =	simm.s32 $_tile_overlayer_lowered  }
0x9b: {  	s22 =	simm.s32 $0x1BFF;
	s21 =	sshll.u32 s6, $0x1;
	s3 =	sadd.s32 s4, s19  }
0x9c: {  	s7 =	simm.s32 $0x0;
	s20 =	sshll.u32 s5, $0x1;
	s5 =	sadd.s32 s21, s3  }
0x9d: {  	[timem:s7], [sflag:s22] =	dma.local [hbm:s5], s20  }
0x9e: {  	_ =	swait.ge [sflag:s22], s20  }
0x9f: {  	s4 =	ssub.s32 $0x0, s20;
	[sflag:s22] =	ssyncset.done $0x0  }
0xa0: {  	[sflag:s22] =	ssyncadd.s32 s4;
	_ =	sdelay $0x1  }
0xa1: {  	s23 =	simm.s32 $0x1B8B  }
0xa2: {  	_ =	swait.ge [sflag:s23], $0x1  }
0xa3: {  	[sflag:s23] =	ssyncset.done $0x0  }
0xa4: {  	s25 =	simm.s32 $0x1B8E;
	s24 =	sld [smem:$0x3FFE];
	[sflag:s23] =	ssyncadd.s32 $0xFFFFFFFF  }
0xa5: {  	s26 =	simm.s32 $execute0_lowered;
	[smem:$0x3FD2] =	sst s25  }
0xa6: {  	s5 =	sshll.u32 s26, $0x1;
	_ =	strace $0x80000049;
	[dreg:$0x1] =	wrdreg $0xFFFFFFFF  }
0xa7: {  	s28 =	simm.s32 $_size_execute0_lowered;
	s3 =	sadd.s32 s3, s5;
	[dreg:$0x0] =	wrdreg $0x0  }
0xa8: {  	s5 =	sshll.u32 s28, $0x1;
	[dreg:$0x2] =	wrdreg s3  }
0xa9: {  	[dreg:$0x3] =	wrdreg s5  }
0xaa: {  	[dreg:$0x4] =	wrdreg $0xC0  }
0xab: {  	_ =	task [dreg:s7], $0x5FFFF  }
0xac: {  	[dreg:$0x1] =	wrdreg $0xFFFFFFFF  }
0xad: {  	[dreg:$0x0] =	wrdreg $0x60  }
0xae: {  	[dreg:$0x2] =	wrdreg s24  }
0xaf: {  	[dreg:$0x3] =	wrdreg s2  }
0xb0: {  	[dreg:$0x4] =	wrdreg $0x9  }
0xb1: {  	_ =	task.clear_ibuf [dreg:s7], $0x5FFFF;
	_ =	strace $0x90000049  }
0xb2: {  	s29 =	simm.s32 $0x9;
	_ =	strace $0x8000004B  }
0xb3: {  	_ =	swait.ge [sflag:s29], $0x1  }
0xb4: {  	[sflag:s29] =	ssyncadd.s32 $0xFFFFFFFF  }
0xb5: {  	_ =	strace $0x9000004B  }
0xb6: {  	_ =	sfence  }
0xb7: {  	s30 =	sld [smem:$0x0];
	_ =	sdelay $0x2  }
0xb8: {  	s31 =	sshll.u32 s1, $0xD;
	s1 =	sshrl.u32 s1, $0x2  }
0xb9: {  	s3 =	sand.u32 $0x4000, s31;
	s1 =	sadd.s32 s1, s30  }
0xba: {  	s0 =	sor.u32 s3, s0;
	s1 =	sshll.u32 s1, $0x11  }
0xbb: {  	s0 =	sor.u32 s1, s0  }
0xbc: {  	s0 =	sadd.s32 $0x8F2B, s0  }
0xbd: {  	[sflag:s0] =	ssyncadd.remote.s32 $0x1  }
0xbe: {  	_ =	sfence.sel $0xFFFF  }
0xbf: {  	[dreg:$0x0] =	wrdreg $0xFFFFFFFF;
	(pc) =	sbr.abs _section_cstart, $3  }
0xc0: {  	[dreg:$0x1] =	wrdreg $0xFFFFFFFF  }
0xc1: {  	_ =	task.clear_ibuf [dreg:s7], $0x2FFFF;
	_ =	strace $0x9FFFFFFF  }
0xc2: {  	(tm) =	ssettm $0x7FFFFFFF  }
0xc3: {  	_ =	shalt  }
tec
execute0_lowered:
.L_overlay_start_1:
0x0: {  	(tag) =	ssettag $0x1  }
0x1: {  	s3 =	rddreg [dreg:$0x0]  }
0x2: {  	s5 =	rddreg [dreg:$0x1]  }
0x3: {  	s0 =	rddreg [dreg:$0x2];
	s2 =	simm.s32 $0x0  }
0x4: {  	s1 =	stileid.u32;
	s4 =	srdreg.scid;
	s10 =	simm.s32 $0x280  }
0x5: {  	s11 =	simm.s32 $0x8300;
	s12 =	simm.s32 $0x0;
	[smem:$0x7FF] =	sst s2  }
0x6: {  	s6 =	sshll.u32 s1, $0x7;
	s4 =	sand.u32 $0x1, s4;
	s7 =	sshll.u32 s1, $0x1  }
0x7: {  	_ =	strace $0x8000004A;
	s6 =	sand.u32 $0x600, s6;
	s7 =	sor.u32 s4, s7  }
0x8: {  	vm0 =	vcmask $0x704;
	vm1 =	vmmov $0x3;
	vm2 =	vmmov $0x7;
	s4 =	ssub.s32 $0x2, s4;
	s6 =	sadd.s32 s6, s3;
	s8 =	sshll.u32 s7, $0x4  }
0x9: {  	vm3 =	vmmov $0xf;
	vm4 =	vmmov $0x1f;
	vm5 =	vmmov $0x3f;
	s3 =	sadd.s32 $0x2600, s3;
	s9 =	sshrl.u32 s4, $0x1;
	s31 =	sshll.u32 s7, $0x6  }
0xa: {  	vm6 =	vmmov $0x7f;
	vm7 =	vmmov $0xff;
	vm8 =	vmmov $0x1ff;
	s7 =	simm.s32 $0x80;
	s8 =	sand.u32 $0x70, s8;
	s9 =	ssub.s32 s4, s9  }
0xb: {  	vm9 =	vmmov $0x3ff;
	vm10 =	vmmov $0x7ff;
	vm11 =	vmmov $0xfff;
	s5 =	sadd.s32 s5, s31;
	s30 =	sadd.s32 s8, s6;
	s6 =	smax.u32 s9, $0x1  }
0xc: {  	vm12 =	vmmov $0x1fff;
	vm13 =	vmmov $0x3fff;
	vm14 =	vmmov $0x7fff;
	s8 =	simm.s32 $0x400;
	s9 =	simm.s32 $0x1;
	s4 =	sadd.s32 $0xC2600, s30  }
.LBB2_1:
0xd: {  	[tilespmem:s2], [sflag:$0x1] =	stream.strided.gather [hbm4b:s4+s7], $0x200, s8, s7, $0x38;
	[tilespmem:$0x8500] =	vst v63  }
0xe: {  	_ =	swait.ge [sflag:s9], $0x200  }
0xf: {  	[sflag:s9] =	ssyncset.done $0x0  }
0x10: {  	[sflag:s9] =	ssyncadd.s32 $0xFFFFFE00  }
0x11: {  	[tilespmem:s10], [sflag:$0x1] =	stream.linear.gather [hbm4b:s3+s2], $0x8000, $0x38;
	[tilespmem:$0x8500] =	vst v63  }
0x12: {  	_ =	swait.ge [sflag:s9], $0x8000  }
0x13: {  	[sflag:s9] =	ssyncset.done $0x0  }
0x14: {  	s14 =	simm.s32 $0x0;
	[sflag:s9] =	ssyncadd.s32 $0xFFFF8000  }
0x15: {  	v0 =	vld [tilespmem:s14+$0x0];
	_ =	sdelay $0x4  }
0x16: {  	v2 =	vadd.s32 $0x280, v0  }
0x17: {  	(v2sf) =	vpush v2, $0x2  }
0x18: {  	(v2sf) =	vpush v2, $0x1  }
0x19: {  	(v2sf) =	vpush v2, $0x0  }
0x1a: {  	(v2sf) =	vpush v2, $0x3  }
0x1b: {  	(v2sf) =	vpush v2, $0x4  }
0x1c: {  	(v2sf) =	vpush v2, $0x5  }
0x1d: {  	(v2sf) =	vpush v2, $0x6  }
0x1e: {  	(v2sf) =	vpush v2, $0x7  }
0x1f: {  	(v2sf) =	vpush v2, $0x8  }
0x20: {  	(v2sf) =	vpush v2, $0x9  }
0x21: {  	(v2sf) =	vpush v2, $0xA  }
0x22: {  	(v2sf) =	vpush v2, $0xB  }
0x23: {  	(v2sf) =	vpush v2, $0xC  }
0x24: {  	(v2sf) =	vpush v2, $0xD  }
0x25: {  	s13 =	simm.s32 $0x10;
	(v2sf) =	vpush v2, $0xE  }
0x26: {  	v1 =	vld [tilespmem:s13+$0x0];
	s15 =	spop (v2sf);
	(v2sf) =	vpush v2, $0xF  }
0x27: {  	v0 =	vld.msk [tilespmem:s15+$0x0 ss:$0x0], $0xffff;
	s16 =	spop (v2sf)  }
0x28: {  	s15 =	simm.s32 $0x80;
	v2 =	vld.msk [tilespmem:s16+$0x0 ss:$0x0], $0xffff;
	s16 =	spop (v2sf)  }
.LBB2_2:
0x29: {  	p0 =	sne.s32 s15, $0x7C0;
	v3 =	vld [tilespmem:s16+$0x0];
	s16 =	spop (v2sf)  }
0x2a: {  	v4 =	vld.msk [tilespmem:s16+$0x0 ss:$0x0], $0xffff;
	s16 =	spop (v2sf)  }
0x2b: {  	v5 =	vld.msk [tilespmem:s16+$0x0 ss:$0x0], $0xffff;
	s16 =	spop (v2sf)  }
0x2c: {  	v6 =	vld.msk [tilespmem:s16+$0x0 ss:$0x0], $0xffff;
	s16 =	spop (v2sf)  }
0x2d: {  	v7 =	vadd.s32 $0x280, v1;
	v1 =	vld.msk [tilespmem:s16+$0x0 ss:$0x0], $0xffff;
	s16 =	spop (v2sf)  }
0x2e: {  	(v2sf) =	vpush v7, $0x2;
	v2 =	vsel vm0, v2, v3;
	v3 =	vld.msk [tilespmem:s16+$0x0 ss:$0x0], $0xffff;
	s16 =	spop (v2sf)  }
0x2f: {  	(v2sf) =	vpush v7, $0x1;
	v0 =	vsel vm1, v2, v0;
	v2 =	vld.msk [tilespmem:s16+$0x0 ss:$0x0], $0xffff;
	s16 =	spop (v2sf)  }
0x30: {  	(v2sf) =	vpush v7, $0x0;
	v0 =	vsel vm2, v0, v4;
	v4 =	vld.msk [tilespmem:s16+$0x0 ss:$0x0], $0xffff;
	s16 =	spop (v2sf)  }
0x31: {  	(v2sf) =	vpush v7, $0x3;
	v0 =	vsel vm3, v0, v5;
	v5 =	vld.msk [tilespmem:s16+$0x0 ss:$0x0], $0xffff;
	s16 =	spop (v2sf)  }
0x32: {  	(v2sf) =	vpush v7, $0x4;
	v0 =	vsel vm4, v0, v6;
	v6 =	vld.msk [tilespmem:s16+$0x0 ss:$0x0], $0xffff;
	s16 =	spop (v2sf)  }
0x33: {  	(v2sf) =	vpush v7, $0x5;
	v0 =	vsel vm5, v0, v1;
	v1 =	vld.msk [tilespmem:s16+$0x0 ss:$0x0], $0xffff;
	s16 =	spop (v2sf)  }
0x34: {  	(v2sf) =	vpush v7, $0x6;
	v0 =	vsel vm6, v0, v3;
	v3 =	vld.msk [tilespmem:s16+$0x0 ss:$0x0], $0xffff;
	s16 =	spop (v2sf)  }
0x35: {  	(v2sf) =	vpush v7, $0x7;
	v0 =	vsel vm7, v0, v2;
	v2 =	vld.msk [tilespmem:s16+$0x0 ss:$0x0], $0xffff;
	s16 =	spop (v2sf)  }
0x36: {  	(v2sf) =	vpush v7, $0x8;
	v0 =	vsel vm8, v0, v4;
	v4 =	vld.msk [tilespmem:s16+$0x0 ss:$0x0], $0xffff  }
0x37: {  	(v2sf) =	vpush v7, $0x9;
	v0 =	vsel vm9, v0, v5  }
0x38: {  	(v2sf) =	vpush v7, $0xA;
	v0 =	vsel vm10, v0, v6  }
0x39: {  	(v2sf) =	vpush v7, $0xB;
	v0 =	vsel vm11, v0, v1  }
0x3a: {  	(v2sf) =	vpush v7, $0xC;
	v0 =	vsel vm12, v0, v3  }
.Ltmp0:
0x3b: {  	(v2sf) =	vpush v7, $0xD;
	v0 =	vsel vm13, v0, v2;
	(pc) =	sbr.rel @p0 .LBB2_2-.Ltmp0, $4  }
0x3c: {  	s16 =	sshra.s32 s15, $0x2;
	(v2sf) =	vpush v7, $0xE;
	v0 =	vsel vm14, v0, v4  }
0x3d: {  	v1 =	vld [tilespmem:s16+$0x0];
	s17 =	spop (v2sf);
	(v2sf) =	vpush v7, $0xF;
	[tilespmem:s14+$0x8300] =	vst v0;
	s14 =	smov.u32 s13;
	s13 =	smov.u32 s16  }
0x3e: {  	v0 =	vld.msk [tilespmem:s17+$0x0 ss:$0x0], $0xffff;
	s16 =	spop (v2sf)  }
0x3f: {  	s15 =	sadd.s32 $0x40, s15;
	v2 =	vld.msk [tilespmem:s16+$0x0 ss:$0x0], $0xffff;
	s16 =	spop (v2sf)  }
0x40: {  	v3 =	vld [tilespmem:s16+$0x0]  }
0x41: {  	s15 =	spop (v2sf)  }
0x42: {  	v4 =	vld.msk [tilespmem:s15+$0x0 ss:$0x0], $0xffff;
	s18 =	spop (v2sf)  }
0x43: {  	v5 =	vld.msk [tilespmem:s18+$0x0 ss:$0x0], $0xffff;
	s19 =	spop (v2sf);
	v1 =	vadd.s32 $0x280, v1  }
0x44: {  	v6 =	vld.msk [tilespmem:s19+$0x0 ss:$0x0], $0xffff;
	s20 =	spop (v2sf);
	(v2sf) =	vpush v1, $0x2  }
0x45: {  	v7 =	vld.msk [tilespmem:s20+$0x0 ss:$0x0], $0xffff;
	s21 =	spop (v2sf);
	(v2sf) =	vpush v1, $0x1;
	v2 =	vsel vm0, v2, v3  }
0x46: {  	v40 =	vld.msk [tilespmem:s21+$0x0 ss:$0x0], $0xffff;
	s22 =	spop (v2sf);
	(v2sf) =	vpush v1, $0x0;
	v0 =	vsel vm1, v2, v0  }
0x47: {  	v41 =	vld.msk [tilespmem:s22+$0x0 ss:$0x0], $0xffff;
	s23 =	spop (v2sf);
	v0 =	vsel vm2, v0, v4  }
0x48: {  	v42 =	vld.msk [tilespmem:s23+$0x0 ss:$0x0], $0xffff;
	s24 =	spop (v2sf);
	(v2sf) =	vpush v1, $0x3;
	v0 =	vsel vm3, v0, v5  }
0x49: {  	v43 =	vld.msk [tilespmem:s24+$0x0 ss:$0x0], $0xffff;
	s25 =	spop (v2sf);
	(v2sf) =	vpush v1, $0x4;
	v0 =	vsel vm4, v0, v6  }
0x4a: {  	v44 =	vld.msk [tilespmem:s25+$0x0 ss:$0x0], $0xffff;
	s26 =	spop (v2sf);
	(v2sf) =	vpush v1, $0x5;
	v0 =	vsel vm5, v0, v7  }
0x4b: {  	v45 =	vld.msk [tilespmem:s26+$0x0 ss:$0x0], $0xffff;
	s28 =	spop (v2sf);
	(v2sf) =	vpush v1, $0x6;
	v0 =	vsel vm6, v0, v40  }
0x4c: {  	v46 =	vld.msk [tilespmem:s28+$0x0 ss:$0x0], $0xffff;
	s29 =	spop (v2sf);
	(v2sf) =	vpush v1, $0x7;
	v0 =	vsel vm7, v0, v41  }
0x4d: {  	v47 =	vld.msk [tilespmem:s29+$0x0 ss:$0x0], $0xffff;
	s30 =	spop (v2sf);
	(v2sf) =	vpush v1, $0x8;
	v0 =	vsel vm8, v0, v42  }
0x4e: {  	v48 =	vld.msk [tilespmem:s30+$0x0 ss:$0x0], $0xffff;
	(v2sf) =	vpush v1, $0x9;
	v0 =	vsel vm9, v0, v43  }
0x4f: {  	(v2sf) =	vpush v1, $0xA;
	v0 =	vsel vm10, v0, v44  }
0x50: {  	(v2sf) =	vpush v1, $0xB;
	v0 =	vsel vm11, v0, v45  }
0x51: {  	(v2sf) =	vpush v1, $0xC;
	v0 =	vsel vm12, v0, v46  }
0x52: {  	(v2sf) =	vpush v1, $0xD;
	v0 =	vsel vm13, v0, v47  }
0x53: {  	(v2sf) =	vpush v1, $0xE;
	s31 =	spop (v2sf);
	v0 =	vsel vm14, v0, v48  }
0x54: {  	(v2sf) =	vpush v1, $0xF;
	s16 =	spop (v2sf);
	[tilespmem:s14+$0x8300] =	vst v0  }
0x55: {  	s17 =	spop (v2sf);
	v0 =	vld.msk [tilespmem:s16+$0x0 ss:$0x0], $0xffff  }
0x56: {  	v49 =	vld [tilespmem:s17+$0x0]  }
0x57: {  	v50 =	vld.msk [tilespmem:s31+$0x0 ss:$0x0], $0xffff;
	s18 =	spop (v2sf)  }
0x58: {  	v51 =	vld.msk [tilespmem:s18+$0x0 ss:$0x0], $0xffff;
	s19 =	spop (v2sf)  }
0x59: {  	v52 =	vld.msk [tilespmem:s19+$0x0 ss:$0x0], $0xffff;
	s20 =	spop (v2sf)  }
0x5a: {  	v53 =	vld.msk [tilespmem:s20+$0x0 ss:$0x0], $0xffff;
	s21 =	spop (v2sf)  }
0x5b: {  	v54 =	vld.msk [tilespmem:s21+$0x0 ss:$0x0], $0xffff;
	s22 =	spop (v2sf);
	v0 =	vsel vm0, v0, v49  }
0x5c: {  	v55 =	vld.msk [tilespmem:s22+$0x0 ss:$0x0], $0xffff;
	s23 =	spop (v2sf);
	v0 =	vsel vm1, v0, v50  }
0x5d: {  	v56 =	vld.msk [tilespmem:s23+$0x0 ss:$0x0], $0xffff;
	s24 =	spop (v2sf);
	v0 =	vsel vm2, v0, v51  }
0x5e: {  	v57 =	vld.msk [tilespmem:s24+$0x0 ss:$0x0], $0xffff;
	s25 =	spop (v2sf);
	v0 =	vsel vm3, v0, v52  }
0x5f: {  	v58 =	vld.msk [tilespmem:s25+$0x0 ss:$0x0], $0xffff;
	s26 =	spop (v2sf);
	v0 =	vsel vm4, v0, v53  }
0x60: {  	v59 =	vld.msk [tilespmem:s26+$0x0 ss:$0x0], $0xffff;
	s28 =	spop (v2sf);
	v0 =	vsel vm5, v0, v54  }
0x61: {  	v60 =	vld.msk [tilespmem:s28+$0x0 ss:$0x0], $0xffff;
	s29 =	spop (v2sf);
	v0 =	vsel vm6, v0, v55  }
0x62: {  	v61 =	vld.msk [tilespmem:s29+$0x0 ss:$0x0], $0xffff;
	s30 =	spop (v2sf);
	v0 =	vsel vm7, v0, v56  }
0x63: {  	v62 =	vld.msk [tilespmem:s30+$0x0 ss:$0x0], $0xffff;
	s31 =	spop (v2sf);
	v0 =	vsel vm8, v0, v57  }
0x64: {  	v63 =	vld.msk [tilespmem:s31+$0x0 ss:$0x0], $0xffff;
	v0 =	vsel vm9, v0, v58  }
0x65: {  	v0 =	vsel vm10, v0, v59  }
0x66: {  	v0 =	vsel vm11, v0, v60  }
0x67: {  	v0 =	vsel vm12, v0, v61  }
0x68: {  	s12 =	sadd.s32 $0x1, s12;
	v0 =	vsel vm13, v0, v62  }
0x69: {  	p0 =	sne.s32 s12, s6;
	v0 =	vsel vm14, v0, v63  }
.Ltmp1:
0x6a: {  	[tilespmem:s13+$0x8300] =	vst v0;
	(pc) =	sbr.rel @p0 .LBB2_1-.Ltmp1, $4  }
0x6b: {  	[hbm4b:s5+s2] =	stream.linear.scatter [tilespmem:s11], [sflag:$0x1], $0x200, $0x38;
	[tilespmem:$0x8500] =	vst v63  }
0x6c: {  	_ =	swait.ge [sflag:s9], $0x200  }
0x6d: {  	[sflag:s9] =	ssyncset.done $0x0  }
0x6e: {  	[sflag:s9] =	ssyncadd.s32 $0xFFFFFE00  }
0x6f: {  	_ =	sfence.sel $0x180000  }
0x70: {  	[bflag:$0x0] =	sbarrier.arrive $0xFFFF  }
0x71: {  	p0 =	sne.s32 s1, $0x0;
	_ =	strace $0x9000004A  }
0x72: {  	s0 =	sadd.s32 @!p0 $0x100000, s0;
	[bflag:$0x2] =	sbarrier.arrive $0xFFFF  }
0x73: {  	[sflag:s0] =	ssyncadd.tile.s32 @!p0 $0x1;
	_ =	shalt  }
.Lfunc_end2:
_tile_overlayer_lowered:
.L_overlay_start_2:
0x74: {  	(tag) =	ssettag $0x2  }
0x75: {  	s0 =	rddreg [dreg:$0x0];
	s2 =	stileid.u32  }
0x76: {  	s1 =	rddreg [dreg:$0x1];
	p0 =	sne.s32 s2, $0x0  }
0x77: {  	s3 =	rddreg [dreg:$0x2];
	[bflag:$0x3] =	sbarrier.arrive $0xFFFF;
	s2 =	simm.s32 @!p0 $0x1C01  }
0x78: {  	[timem:s3], [sflag:s2] =	dma.local @!p0 [hbm:s0], s1  }
0x79: {  	s0 =	simm.s32 @!p0 $0x1  }
0x7a: {  	_ =	swait.ge @!p0 [sflag:s0], s1  }
0x7b: {  	s1 =	ssub.s32 @!p0 $0x0, s1;
	[sflag:s0] =	ssyncset.done @!p0 $0x0  }
0x7c: {  	[sflag:s0] =	ssyncadd.s32 @!p0 s1  }
0x7d: {  	[bflag:$0x3] =	sbarrier.arrive $0xFFFF  }
0x7e: {  	_ =	shalt  }

</sc_bundles>
